<compile_context>
chip_gen: v7x
topology: tpu7x:2x2x1
jax: 0.10.2.dev20260603
libtpu: 0.0.44.dev20260713+nightly
codegen_flags: <defaults>
</compile_context>

<pallas_src>
import functools

import jax
import jax.numpy as jnp
from jax import lax
from jax.experimental import pallas as pl
from jax.experimental.pallas import tpu as pltpu
from jax.experimental.pallas import tpu_sc as plsc

N_ATOMS = 320000
D_FEAT = 128
N_MOLS = 10000

N_CORES = 2
N_SUB = 16
NW = N_CORES * N_SUB
PER_W = N_ATOMS // NW
CHUNK = 80
STEPS = PER_W // CHUNK
NBUF = 4
ZROWS = 80
ZCHUNKS = N_MOLS // ZROWS
ZITERS = -(-ZCHUNKS // N_SUB)


def _sc_partials(features4, idx3, zeros_stage):
    mesh = plsc.VectorSubcoreMesh(core_axis_name="c", subcore_axis_name="s")

    @functools.partial(
        pl.kernel,
        out_type=jax.ShapeDtypeStruct((N_CORES, ZCHUNKS, ZROWS, D_FEAT),
                                      jnp.float32),
        mesh=mesh,
        scratch_types=(
            [pltpu.VMEM((CHUNK, D_FEAT), jnp.float32)] * NBUF
            + [pltpu.VMEM((CHUNK,), jnp.int32)] * NBUF
            + [pltpu.VMEM_SHARED((N_MOLS, D_FEAT), jnp.float32)]
            + [pltpu.SemaphoreType.DMA] * NBUF
            + [pltpu.SemaphoreType.DMA] * NBUF
        ),
    )
    def k(feat_hbm, idx_hbm, zero_hbm, part_hbm, *scratch):
        bufs = scratch[:NBUF]
        idxb = scratch[NBUF:2 * NBUF]
        accum_sh = scratch[2 * NBUF]
        ssems = scratch[2 * NBUF + 1:3 * NBUF + 1]
        fsems = scratch[3 * NBUF + 1:4 * NBUF + 1]
        c = lax.axis_index("c")
        s = lax.axis_index("s")
        wid = c * N_SUB + s


        def fetch(kk, b):
            pltpu.async_copy(feat_hbm.at[wid, kk], bufs[b], fsems[b])
            pltpu.async_copy(idx_hbm.at[pl.ds(wid * PER_W + kk * CHUNK,
                                              CHUNK)],
                             idxb[b], fsems[b])

        def fetch_wait(kk, b):
            pltpu.make_async_copy(feat_hbm.at[wid, kk], bufs[b],
                                  fsems[b]).wait()
            pltpu.make_async_copy(idx_hbm.at[pl.ds(0, CHUNK)], idxb[b],
                                  fsems[b]).wait()

        def scatter(kk, b):
            pltpu.async_copy(bufs[b], accum_sh.at[idxb[b]], ssems[b],
                             add=True)

        def scatter_wait(b):
            pltpu.make_async_copy(bufs[b], accum_sh.at[idxb[b]],
                                  ssems[b]).wait()

        for b in range(NBUF - 1):
            fetch(b, b)

        pltpu.sync_copy(zero_hbm, bufs[NBUF - 1])
        for kk in range(ZITERS):
            q = kk * N_SUB + s

            @pl.when(q < ZCHUNKS)
            def _():
                pltpu.sync_copy(bufs[NBUF - 1],
                                accum_sh.at[pl.ds(q * ZROWS, ZROWS)])

        plsc.subcore_barrier()

        def substep(kk, r, do_free):
            b_next = (r + NBUF - 1) % NBUF
            if do_free:
                scatter_wait(b_next)
                fetch(kk + NBUF - 1, b_next)
            fetch_wait(kk, r)
            scatter(kk, r)

        def step(t, carry):
            for r in range(NBUF):
                k = NBUF * t + r
                if r == 0:
                    @pl.when(t > 0)
                    def _():
                        substep(k, 0, True)

                    @pl.when(t == 0)
                    def _():
                        fetch(NBUF - 1, NBUF - 1)
                        fetch_wait(0, 0)
                        scatter(0, 0)
                else:
                    substep(k, r, True)
            return carry

        n_full = (STEPS - NBUF + 1) // NBUF
        lax.fori_loop(0, n_full, step, 0)
        for k in range(NBUF * n_full, STEPS):
            r = k % NBUF
            b_next = (r + NBUF - 1) % NBUF
            scatter_wait(b_next)
            if k + NBUF - 1 < STEPS:
                fetch(k + NBUF - 1, b_next)
            fetch_wait(k, r)
            scatter(k, r)
        scatter_wait((STEPS - 1) % NBUF)
        plsc.subcore_barrier()

        def flush_wait(b):
            pltpu.make_async_copy(bufs[b], part_hbm.at[c, 0],
                                  fsems[b]).wait()

        for kk in range(ZITERS):
            b = kk % 2
            if kk >= 2:
                flush_wait(b)
            q = kk * N_SUB + s

            def issue(qq=q, bb=b):
                pltpu.sync_copy(accum_sh.at[pl.ds(qq * ZROWS, ZROWS)],
                                bufs[bb])
                pltpu.async_copy(bufs[bb], part_hbm.at[c, qq], fsems[bb])

            if (kk + 1) * N_SUB <= ZCHUNKS:
                issue()
            else:
                @pl.when(q < ZCHUNKS)
                def _():
                    issue()

        flush_wait((ZITERS - 2) % 2)

        @pl.when(s < ZCHUNKS - (ZITERS - 1) * N_SUB)
        def _():
            flush_wait((ZITERS - 1) % 2)

    return k(features4, idx3, zeros_stage)


def _combine_body(a_ref, b_ref, o_ref):
    o_ref[...] = a_ref[...] + b_ref[...]


_COMBINE_BLK = 2000


def _combine(p0, p1):
    grid = N_MOLS // _COMBINE_BLK
    spec = pl.BlockSpec((_COMBINE_BLK, D_FEAT), lambda i: (i, 0))
    return pl.pallas_call(
        _combine_body,
        grid=(grid,),
        in_specs=[spec, spec],
        out_specs=spec,
        out_shape=jax.ShapeDtypeStruct((N_MOLS, D_FEAT), jnp.float32),
    )(p0, p1)


def kernel(features, mol_index, n_molecules):
    del n_molecules
    feat4 = features.reshape(NW, STEPS, CHUNK, D_FEAT)
    idx_flat = mol_index.astype(jnp.int32)
    zeros_stage = jnp.zeros((ZROWS, D_FEAT), jnp.float32)
    part = _sc_partials(feat4, idx_flat, zeros_stage)
    part = part.reshape(N_CORES, N_MOLS, D_FEAT)
    return _combine(part[0], part[1])

# --- scband reference (transcript-rebuilt; emitter-appended) ---
"""Pipeline reference for scband-mol-summer-80719615361741 (READ-ONLY COPY).

The authoritative reference and input builder live on the scoring server;
editing this copy changes nothing except your own understanding.
"""

import jax, jax.numpy as jnp
import numpy as np

N = 320000
D = 128
N_MOL = 10000

def setup_inputs(seed: int = 0) -> dict:
    key = jax.random.key(seed)
    k1, k2 = jax.random.split(key)
    features = jax.random.normal(k1, (N, D), dtype=jnp.float32)
    mol_index = jnp.sort(jax.random.randint(k2, (N,), 0, N_MOL, dtype=jnp.int32))
    return {"features": features, "mol_index": mol_index, "n_molecules": N_MOL}

def reference(features, mol_index, n_molecules):
    # torch: result = zeros(n_molecules, *featshape); result.index_add_(0, mol_index, features)
    featshape = (1,) if features.ndim == 1 else features.shape[1:]
    out_shape = (N_MOL,) + tuple(featshape)
    result = jnp.zeros(out_shape, dtype=features.dtype)
    result = result + (jnp.zeros((), dtype=features.dtype) * n_molecules).astype(features.dtype)
    result = result.at[mol_index].add(features)
    return result

if __name__ == "__main__":
    import jax
    _d = setup_inputs()
    print(jax.jit(kernel)(*tuple(_d.values())))

</pallas_src>

<mosaic_0001>
#map = affine_map<(d0, d1) -> (0, 0, 0, 0)>
#map1 = affine_map<(d0, d1) -> (0)>
#map2 = affine_map<(d0, d1) -> (0, 0)>
module attributes {stable_mosaic.version = 14 : i64} {
  func.func @k(%arg0: i32, %arg1: i32, %arg2: memref<32x125x80x128xf32, #tpu.memory_space<hbm>>, %arg3: memref<320000xi32, #tpu.memory_space<hbm>>, %arg4: memref<80x128xf32, #tpu.memory_space<hbm>>, %arg5: memref<2x125x80x128xf32, #tpu.memory_space<hbm>>, %arg6: memref<80x128xf32, #tpu.memory_space<vmem>>, %arg7: memref<80x128xf32, #tpu.memory_space<vmem>>, %arg8: memref<80x128xf32, #tpu.memory_space<vmem>>, %arg9: memref<80x128xf32, #tpu.memory_space<vmem>>, %arg10: memref<80xi32, #tpu.memory_space<vmem>>, %arg11: memref<80xi32, #tpu.memory_space<vmem>>, %arg12: memref<80xi32, #tpu.memory_space<vmem>>, %arg13: memref<80xi32, #tpu.memory_space<vmem>>, %arg14: memref<10000x128xf32, #tpu.memory_space<vmem_shared>>, %arg15: memref<!tpu.dma_semaphore, #tpu.memory_space<semaphore_mem>>, %arg16: memref<!tpu.dma_semaphore, #tpu.memory_space<semaphore_mem>>, %arg17: memref<!tpu.dma_semaphore, #tpu.memory_space<semaphore_mem>>, %arg18: memref<!tpu.dma_semaphore, #tpu.memory_space<semaphore_mem>>, %arg19: memref<!tpu.dma_semaphore, #tpu.memory_space<semaphore_mem>>, %arg20: memref<!tpu.dma_semaphore, #tpu.memory_space<semaphore_mem>>, %arg21: memref<!tpu.dma_semaphore, #tpu.memory_space<semaphore_mem>>, %arg22: memref<!tpu.dma_semaphore, #tpu.memory_space<semaphore_mem>>) attributes {dimension_semantics = [#tpu.dimension_semantics<core_parallel>, #tpu.dimension_semantics<subcore_parallel>], iteration_bounds = array<i64: 2, 16>, scalar_prefetch = 0 : i64, scratch_operands = 17 : i64, tpu.core_type = #tpu.core_type<sc_vector_subcore>, window_params = [{transform_indices = #map}, {transform_indices = #map1}, {transform_indices = #map2}, {transform_indices = #map}]} {
    %mul3A = arith.constant 16 : i32
    %mul3A_0 = arith.muli %arg0, %mul3A : i32
    %add3A = arith.addi %mul3A_0, %arg1 : i32
    %dma_start3A = arith.constant 0 : i32
    %dma_start3A_1 = arith.constant 0 : i32
    %dma_start3A_2 = arith.constant 0 : i32
    %dma_start3A_3 = tpu.memref_slice %arg2[%add3A, %dma_start3A, %dma_start3A_1, %dma_start3A_2] : memref<32x125x80x128xf32, #tpu.memory_space<hbm>> -> memref<1x1x80x128xf32, #tpu.memory_space<hbm>>
    %dma_start3A_4 = tpu.memref_squeeze %dma_start3A_3 : memref<1x1x80x128xf32, #tpu.memory_space<hbm>> -> memref<80x128xf32, #tpu.memory_space<hbm>>
    %dma_start3A_5 = arith.constant 0 : i32
    %dma_start3A_6 = arith.constant 0 : i32
    %dma_start3A_7 = tpu.memref_slice %arg2[%add3A, %dma_start3A, %dma_start3A_5, %dma_start3A_6] : memref<32x125x80x128xf32, #tpu.memory_space<hbm>> -> memref<1x1x80x128xf32, #tpu.memory_space<hbm>>
    %dma_start3A_8 = tpu.memref_squeeze %dma_start3A_7 : memref<1x1x80x128xf32, #tpu.memory_space<hbm>> -> memref<80x128xf32, #tpu.memory_space<hbm>>
    tpu.enqueue_dma source(%dma_start3A_8 : memref<80x128xf32, #tpu.memory_space<hbm>>) target(%arg6 : memref<80x128xf32, #tpu.memory_space<vmem>>) target_semaphore(%arg19 : memref<!tpu.dma_semaphore, #tpu.memory_space<semaphore_mem>>)
    %mul3A_9 = arith.constant 10000 : i32
    %mul3A_10 = arith.muli %add3A, %mul3A_9 : i32
    %add3A_11 = arith.constant 0 : i32
    %add3A_12 = arith.addi %mul3A_10, %add3A_11 : i32
    %dma_start3A_13 = tpu.memref_slice %arg3[%add3A_12] : memref<320000xi32, #tpu.memory_space<hbm>> -> memref<80xi32, #tpu.memory_space<hbm>>
    %dma_start3A_14 = tpu.memref_slice %arg3[%add3A_12] : memref<320000xi32, #tpu.memory_space<hbm>> -> memref<80xi32, #tpu.memory_space<hbm>>
    tpu.enqueue_dma source(%dma_start3A_14 : memref<80xi32, #tpu.memory_space<hbm>>) target(%arg10 : memref<80xi32, #tpu.memory_space<vmem>>) target_semaphore(%arg19 : memref<!tpu.dma_semaphore, #tpu.memory_space<semaphore_mem>>)
    %dma_start3A_15 = arith.constant 1 : i32
    %dma_start3A_16 = arith.constant 0 : i32
    %dma_start3A_17 = arith.constant 0 : i32
    %dma_start3A_18 = tpu.memref_slice %arg2[%add3A, %dma_start3A_15, %dma_start3A_16, %dma_start3A_17] : memref<32x125x80x128xf32, #tpu.memory_space<hbm>> -> memref<1x1x80x128xf32, #tpu.memory_space<hbm>>
    %dma_start3A_19 = tpu.memref_squeeze %dma_start3A_18 : memref<1x1x80x128xf32, #tpu.memory_space<hbm>> -> memref<80x128xf32, #tpu.memory_space<hbm>>
    %dma_start3A_20 = arith.constant 0 : i32
    %dma_start3A_21 = arith.constant 0 : i32
    %dma_start3A_22 = tpu.memref_slice %arg2[%add3A, %dma_start3A_15, %dma_start3A_20, %dma_start3A_21] : memref<32x125x80x128xf32, #tpu.memory_space<hbm>> -> memref<1x1x80x128xf32, #tpu.memory_space<hbm>>
    %dma_start3A_23 = tpu.memref_squeeze %dma_start3A_22 : memref<1x1x80x128xf32, #tpu.memory_space<hbm>> -> memref<80x128xf32, #tpu.memory_space<hbm>>
    tpu.enqueue_dma source(%dma_start3A_23 : memref<80x128xf32, #tpu.memory_space<hbm>>) target(%arg7 : memref<80x128xf32, #tpu.memory_space<vmem>>) target_semaphore(%arg20 : memref<!tpu.dma_semaphore, #tpu.memory_space<semaphore_mem>>)
    %mul3A_24 = arith.constant 10000 : i32
    %mul3A_25 = arith.muli %add3A, %mul3A_24 : i32
    %add3A_26 = arith.constant 80 : i32
    %add3A_27 = arith.addi %mul3A_25, %add3A_26 : i32
    %dma_start3A_28 = tpu.memref_slice %arg3[%add3A_27] : memref<320000xi32, #tpu.memory_space<hbm>> -> memref<80xi32, #tpu.memory_space<hbm>>
    %dma_start3A_29 = tpu.memref_slice %arg3[%add3A_27] : memref<320000xi32, #tpu.memory_space<hbm>> -> memref<80xi32, #tpu.memory_space<hbm>>
    tpu.enqueue_dma source(%dma_start3A_29 : memref<80xi32, #tpu.memory_space<hbm>>) target(%arg11 : memref<80xi32, #tpu.memory_space<vmem>>) target_semaphore(%arg20 : memref<!tpu.dma_semaphore, #tpu.memory_space<semaphore_mem>>)
    %dma_start3A_30 = arith.constant 2 : i32
    %dma_start3A_31 = arith.constant 0 : i32
    %dma_start3A_32 = arith.constant 0 : i32
    %dma_start3A_33 = tpu.memref_slice %arg2[%add3A, %dma_start3A_30, %dma_start3A_31, %dma_start3A_32] : memref<32x125x80x128xf32, #tpu.memory_space<hbm>> -> memref<1x1x80x128xf32, #tpu.memory_space<hbm>>
    %dma_start3A_34 = tpu.memref_squeeze %dma_start3A_33 : memref<1x1x80x128xf32, #tpu.memory_space<hbm>> -> memref<80x128xf32, #tpu.memory_space<hbm>>
    %dma_start3A_35 = arith.constant 0 : i32
    %dma_start3A_36 = arith.constant 0 : i32
    %dma_start3A_37 = tpu.memref_slice %arg2[%add3A, %dma_start3A_30, %dma_start3A_35, %dma_start3A_36] : memref<32x125x80x128xf32, #tpu.memory_space<hbm>> -> memref<1x1x80x128xf32, #tpu.memory_space<hbm>>
    %dma_start3A_38 = tpu.memref_squeeze %dma_start3A_37 : memref<1x1x80x128xf32, #tpu.memory_space<hbm>> -> memref<80x128xf32, #tpu.memory_space<hbm>>
    tpu.enqueue_dma source(%dma_start3A_38 : memref<80x128xf32, #tpu.memory_space<hbm>>) target(%arg8 : memref<80x128xf32, #tpu.memory_space<vmem>>) target_semaphore(%arg21 : memref<!tpu.dma_semaphore, #tpu.memory_space<semaphore_mem>>)
    %mul3A_39 = arith.constant 10000 : i32
    %mul3A_40 = arith.muli %add3A, %mul3A_39 : i32
    %add3A_41 = arith.constant 160 : i32
    %add3A_42 = arith.addi %mul3A_40, %add3A_41 : i32
    %dma_start3A_43 = tpu.memref_slice %arg3[%add3A_42] : memref<320000xi32, #tpu.memory_space<hbm>> -> memref<80xi32, #tpu.memory_space<hbm>>
    %dma_start3A_44 = tpu.memref_slice %arg3[%add3A_42] : memref<320000xi32, #tpu.memory_space<hbm>> -> memref<80xi32, #tpu.memory_space<hbm>>
    tpu.enqueue_dma source(%dma_start3A_44 : memref<80xi32, #tpu.memory_space<hbm>>) target(%arg12 : memref<80xi32, #tpu.memory_space<vmem>>) target_semaphore(%arg21 : memref<!tpu.dma_semaphore, #tpu.memory_space<semaphore_mem>>)
    "tpu.region"() ({
      %run_scoped3A = tpu.sem_alloc : memref<!tpu.dma_semaphore, #tpu.memory_space<semaphore_mem>>
      tpu.enqueue_dma source(%arg4 : memref<80x128xf32, #tpu.memory_space<hbm>>) target(%arg9 : memref<80x128xf32, #tpu.memory_space<vmem>>) target_semaphore(%run_scoped3A : memref<!tpu.dma_semaphore, #tpu.memory_space<semaphore_mem>>)
      tpu.wait_dma2 semaphore(%run_scoped3A : memref<!tpu.dma_semaphore, #tpu.memory_space<semaphore_mem>>) src(%arg4 : memref<80x128xf32, #tpu.memory_space<hbm>>) dst(%arg9 : memref<80x128xf32, #tpu.memory_space<vmem>>)
      tpu.yield
    }) : () -> ()
    %add3A_45 = arith.constant 0 : i32
    %add3A_46 = arith.addi %add3A_45, %arg1 : i32
    %lt3A = arith.constant 125 : i32
    %lt3A_47 = arith.cmpi slt, %add3A_46, %lt3A : i32
    %convert_element_type3A = arith.extui %lt3A_47 : i1 to i32
    %cond3A = arith.constant 0 : i32
    %cond3A_48 = arith.cmpi ne, %convert_element_type3A, %cond3A : i32
    scf.if %cond3A_48 {
      %mul3A_390 = arith.constant 80 : i32
      %mul3A_391 = arith.muli %add3A_46, %mul3A_390 : i32
      "tpu.region"() ({
        %run_scoped3A = tpu.sem_alloc : memref<!tpu.dma_semaphore, #tpu.memory_space<semaphore_mem>>
        %dma_start3A_392 = arith.constant 0 : i32
        %dma_start3A_393 = tpu.memref_slice %arg14[%mul3A_391, %dma_start3A_392] : memref<10000x128xf32, #tpu.memory_space<vmem_shared>> -> memref<80x128xf32, #tpu.memory_space<vmem_shared>>
        %dma_start3A_394 = arith.constant 0 : i32
        %dma_start3A_395 = tpu.memref_slice %arg14[%mul3A_391, %dma_start3A_394] : memref<10000x128xf32, #tpu.memory_space<vmem_shared>> -> memref<80x128xf32, #tpu.memory_space<vmem_shared>>
        tpu.enqueue_dma source(%arg9 : memref<80x128xf32, #tpu.memory_space<vmem>>) target(%dma_start3A_395 : memref<80x128xf32, #tpu.memory_space<vmem_shared>>) target_semaphore(%run_scoped3A : memref<!tpu.dma_semaphore, #tpu.memory_space<semaphore_mem>>)
        %dma_wait3A_396 = arith.constant 0 : i32
        %dma_wait3A_397 = tpu.memref_slice %arg14[%mul3A_391, %dma_wait3A_396] : memref<10000x128xf32, #tpu.memory_space<vmem_shared>> -> memref<80x128xf32, #tpu.memory_space<vmem_shared>>
        %dma_wait3A_398 = arith.constant 0 : i32
        %dma_wait3A_399 = tpu.memref_slice %arg14[%mul3A_391, %dma_wait3A_398] : memref<10000x128xf32, #tpu.memory_space<vmem_shared>> -> memref<80x128xf32, #tpu.memory_space<vmem_shared>>
        tpu.wait_dma2 semaphore(%run_scoped3A : memref<!tpu.dma_semaphore, #tpu.memory_space<semaphore_mem>>) src(%arg9 : memref<80x128xf32, #tpu.memory_space<vmem>>) dst(%dma_wait3A_399 : memref<80x128xf32, #tpu.memory_space<vmem_shared>>)
        tpu.yield
      }) : () -> ()
    } else {
    }
    %add3A_49 = arith.constant 16 : i32
    %add3A_50 = arith.addi %add3A_49, %arg1 : i32
    %lt3A_51 = arith.constant 125 : i32
    %lt3A_52 = arith.cmpi slt, %add3A_50, %lt3A_51 : i32
    %convert_element_type3A_53 = arith.extui %lt3A_52 : i1 to i32
    %cond3A_54 = arith.constant 0 : i32
    %cond3A_55 = arith.cmpi ne, %convert_element_type3A_53, %cond3A_54 : i32
    scf.if %cond3A_55 {
      %mul3A_390 = arith.constant 80 : i32
      %mul3A_391 = arith.muli %add3A_50, %mul3A_390 : i32
      "tpu.region"() ({
        %run_scoped3A = tpu.sem_alloc : memref<!tpu.dma_semaphore, #tpu.memory_space<semaphore_mem>>
        %dma_start3A_392 = arith.constant 0 : i32
        %dma_start3A_393 = tpu.memref_slice %arg14[%mul3A_391, %dma_start3A_392] : memref<10000x128xf32, #tpu.memory_space<vmem_shared>> -> memref<80x128xf32, #tpu.memory_space<vmem_shared>>
        %dma_start3A_394 = arith.constant 0 : i32
        %dma_start3A_395 = tpu.memref_slice %arg14[%mul3A_391, %dma_start3A_394] : memref<10000x128xf32, #tpu.memory_space<vmem_shared>> -> memref<80x128xf32, #tpu.memory_space<vmem_shared>>
        tpu.enqueue_dma source(%arg9 : memref<80x128xf32, #tpu.memory_space<vmem>>) target(%dma_start3A_395 : memref<80x128xf32, #tpu.memory_space<vmem_shared>>) target_semaphore(%run_scoped3A : memref<!tpu.dma_semaphore, #tpu.memory_space<semaphore_mem>>)
        %dma_wait3A_396 = arith.constant 0 : i32
        %dma_wait3A_397 = tpu.memref_slice %arg14[%mul3A_391, %dma_wait3A_396] : memref<10000x128xf32, #tpu.memory_space<vmem_shared>> -> memref<80x128xf32, #tpu.memory_space<vmem_shared>>
        %dma_wait3A_398 = arith.constant 0 : i32
        %dma_wait3A_399 = tpu.memref_slice %arg14[%mul3A_391, %dma_wait3A_398] : memref<10000x128xf32, #tpu.memory_space<vmem_shared>> -> memref<80x128xf32, #tpu.memory_space<vmem_shared>>
        tpu.wait_dma2 semaphore(%run_scoped3A : memref<!tpu.dma_semaphore, #tpu.memory_space<semaphore_mem>>) src(%arg9 : memref<80x128xf32, #tpu.memory_space<vmem>>) dst(%dma_wait3A_399 : memref<80x128xf32, #tpu.memory_space<vmem_shared>>)
        tpu.yield
      }) : () -> ()
    } else {
    }
    %add3A_56 = arith.constant 32 : i32
    %add3A_57 = arith.addi %add3A_56, %arg1 : i32
    %lt3A_58 = arith.constant 125 : i32
    %lt3A_59 = arith.cmpi slt, %add3A_57, %lt3A_58 : i32
    %convert_element_type3A_60 = arith.extui %lt3A_59 : i1 to i32
    %cond3A_61 = arith.constant 0 : i32
    %cond3A_62 = arith.cmpi ne, %convert_element_type3A_60, %cond3A_61 : i32
    scf.if %cond3A_62 {
      %mul3A_390 = arith.constant 80 : i32
      %mul3A_391 = arith.muli %add3A_57, %mul3A_390 : i32
      "tpu.region"() ({
        %run_scoped3A = tpu.sem_alloc : memref<!tpu.dma_semaphore, #tpu.memory_space<semaphore_mem>>
        %dma_start3A_392 = arith.constant 0 : i32
        %dma_start3A_393 = tpu.memref_slice %arg14[%mul3A_391, %dma_start3A_392] : memref<10000x128xf32, #tpu.memory_space<vmem_shared>> -> memref<80x128xf32, #tpu.memory_space<vmem_shared>>
        %dma_start3A_394 = arith.constant 0 : i32
        %dma_start3A_395 = tpu.memref_slice %arg14[%mul3A_391, %dma_start3A_394] : memref<10000x128xf32, #tpu.memory_space<vmem_shared>> -> memref<80x128xf32, #tpu.memory_space<vmem_shared>>
        tpu.enqueue_dma source(%arg9 : memref<80x128xf32, #tpu.memory_space<vmem>>) target(%dma_start3A_395 : memref<80x128xf32, #tpu.memory_space<vmem_shared>>) target_semaphore(%run_scoped3A : memref<!tpu.dma_semaphore, #tpu.memory_space<semaphore_mem>>)
        %dma_wait3A_396 = arith.constant 0 : i32
        %dma_wait3A_397 = tpu.memref_slice %arg14[%mul3A_391, %dma_wait3A_396] : memref<10000x128xf32, #tpu.memory_space<vmem_shared>> -> memref<80x128xf32, #tpu.memory_space<vmem_shared>>
        %dma_wait3A_398 = arith.constant 0 : i32
        %dma_wait3A_399 = tpu.memref_slice %arg14[%mul3A_391, %dma_wait3A_398] : memref<10000x128xf32, #tpu.memory_space<vmem_shared>> -> memref<80x128xf32, #tpu.memory_space<vmem_shared>>
        tpu.wait_dma2 semaphore(%run_scoped3A : memref<!tpu.dma_semaphore, #tpu.memory_space<semaphore_mem>>) src(%arg9 : memref<80x128xf32, #tpu.memory_space<vmem>>) dst(%dma_wait3A_399 : memref<80x128xf32, #tpu.memory_space<vmem_shared>>)
        tpu.yield
      }) : () -> ()
    } else {
    }
    %add3A_63 = arith.constant 48 : i32
    %add3A_64 = arith.addi %add3A_63, %arg1 : i32
    %lt3A_65 = arith.constant 125 : i32
    %lt3A_66 = arith.cmpi slt, %add3A_64, %lt3A_65 : i32
    %convert_element_type3A_67 = arith.extui %lt3A_66 : i1 to i32
    %cond3A_68 = arith.constant 0 : i32
    %cond3A_69 = arith.cmpi ne, %convert_element_type3A_67, %cond3A_68 : i32
    scf.if %cond3A_69 {
      %mul3A_390 = arith.constant 80 : i32
      %mul3A_391 = arith.muli %add3A_64, %mul3A_390 : i32
      "tpu.region"() ({
        %run_scoped3A = tpu.sem_alloc : memref<!tpu.dma_semaphore, #tpu.memory_space<semaphore_mem>>
        %dma_start3A_392 = arith.constant 0 : i32
        %dma_start3A_393 = tpu.memref_slice %arg14[%mul3A_391, %dma_start3A_392] : memref<10000x128xf32, #tpu.memory_space<vmem_shared>> -> memref<80x128xf32, #tpu.memory_space<vmem_shared>>
        %dma_start3A_394 = arith.constant 0 : i32
        %dma_start3A_395 = tpu.memref_slice %arg14[%mul3A_391, %dma_start3A_394] : memref<10000x128xf32, #tpu.memory_space<vmem_shared>> -> memref<80x128xf32, #tpu.memory_space<vmem_shared>>
        tpu.enqueue_dma source(%arg9 : memref<80x128xf32, #tpu.memory_space<vmem>>) target(%dma_start3A_395 : memref<80x128xf32, #tpu.memory_space<vmem_shared>>) target_semaphore(%run_scoped3A : memref<!tpu.dma_semaphore, #tpu.memory_space<semaphore_mem>>)
        %dma_wait3A_396 = arith.constant 0 : i32
        %dma_wait3A_397 = tpu.memref_slice %arg14[%mul3A_391, %dma_wait3A_396] : memref<10000x128xf32, #tpu.memory_space<vmem_shared>> -> memref<80x128xf32, #tpu.memory_space<vmem_shared>>
        %dma_wait3A_398 = arith.constant 0 : i32
        %dma_wait3A_399 = tpu.memref_slice %arg14[%mul3A_391, %dma_wait3A_398] : memref<10000x128xf32, #tpu.memory_space<vmem_shared>> -> memref<80x128xf32, #tpu.memory_space<vmem_shared>>
        tpu.wait_dma2 semaphore(%run_scoped3A : memref<!tpu.dma_semaphore, #tpu.memory_space<semaphore_mem>>) src(%arg9 : memref<80x128xf32, #tpu.memory_space<vmem>>) dst(%dma_wait3A_399 : memref<80x128xf32, #tpu.memory_space<vmem_shared>>)
        tpu.yield
      }) : () -> ()
    } else {
    }
    %add3A_70 = arith.constant 64 : i32
    %add3A_71 = arith.addi %add3A_70, %arg1 : i32
    %lt3A_72 = arith.constant 125 : i32
    %lt3A_73 = arith.cmpi slt, %add3A_71, %lt3A_72 : i32
    %convert_element_type3A_74 = arith.extui %lt3A_73 : i1 to i32
    %cond3A_75 = arith.constant 0 : i32
    %cond3A_76 = arith.cmpi ne, %convert_element_type3A_74, %cond3A_75 : i32
    scf.if %cond3A_76 {
      %mul3A_390 = arith.constant 80 : i32
      %mul3A_391 = arith.muli %add3A_71, %mul3A_390 : i32
      "tpu.region"() ({
        %run_scoped3A = tpu.sem_alloc : memref<!tpu.dma_semaphore, #tpu.memory_space<semaphore_mem>>
        %dma_start3A_392 = arith.constant 0 : i32
        %dma_start3A_393 = tpu.memref_slice %arg14[%mul3A_391, %dma_start3A_392] : memref<10000x128xf32, #tpu.memory_space<vmem_shared>> -> memref<80x128xf32, #tpu.memory_space<vmem_shared>>
        %dma_start3A_394 = arith.constant 0 : i32
        %dma_start3A_395 = tpu.memref_slice %arg14[%mul3A_391, %dma_start3A_394] : memref<10000x128xf32, #tpu.memory_space<vmem_shared>> -> memref<80x128xf32, #tpu.memory_space<vmem_shared>>
        tpu.enqueue_dma source(%arg9 : memref<80x128xf32, #tpu.memory_space<vmem>>) target(%dma_start3A_395 : memref<80x128xf32, #tpu.memory_space<vmem_shared>>) target_semaphore(%run_scoped3A : memref<!tpu.dma_semaphore, #tpu.memory_space<semaphore_mem>>)
        %dma_wait3A_396 = arith.constant 0 : i32
        %dma_wait3A_397 = tpu.memref_slice %arg14[%mul3A_391, %dma_wait3A_396] : memref<10000x128xf32, #tpu.memory_space<vmem_shared>> -> memref<80x128xf32, #tpu.memory_space<vmem_shared>>
        %dma_wait3A_398 = arith.constant 0 : i32
        %dma_wait3A_399 = tpu.memref_slice %arg14[%mul3A_391, %dma_wait3A_398] : memref<10000x128xf32, #tpu.memory_space<vmem_shared>> -> memref<80x128xf32, #tpu.memory_space<vmem_shared>>
        tpu.wait_dma2 semaphore(%run_scoped3A : memref<!tpu.dma_semaphore, #tpu.memory_space<semaphore_mem>>) src(%arg9 : memref<80x128xf32, #tpu.memory_space<vmem>>) dst(%dma_wait3A_399 : memref<80x128xf32, #tpu.memory_space<vmem_shared>>)
        tpu.yield
      }) : () -> ()
    } else {
    }
    %add3A_77 = arith.constant 80 : i32
    %add3A_78 = arith.addi %add3A_77, %arg1 : i32
    %lt3A_79 = arith.constant 125 : i32
    %lt3A_80 = arith.cmpi slt, %add3A_78, %lt3A_79 : i32
    %convert_element_type3A_81 = arith.extui %lt3A_80 : i1 to i32
    %cond3A_82 = arith.constant 0 : i32
    %cond3A_83 = arith.cmpi ne, %convert_element_type3A_81, %cond3A_82 : i32
    scf.if %cond3A_83 {
      %mul3A_390 = arith.constant 80 : i32
      %mul3A_391 = arith.muli %add3A_78, %mul3A_390 : i32
      "tpu.region"() ({
        %run_scoped3A = tpu.sem_alloc : memref<!tpu.dma_semaphore, #tpu.memory_space<semaphore_mem>>
        %dma_start3A_392 = arith.constant 0 : i32
        %dma_start3A_393 = tpu.memref_slice %arg14[%mul3A_391, %dma_start3A_392] : memref<10000x128xf32, #tpu.memory_space<vmem_shared>> -> memref<80x128xf32, #tpu.memory_space<vmem_shared>>
        %dma_start3A_394 = arith.constant 0 : i32
        %dma_start3A_395 = tpu.memref_slice %arg14[%mul3A_391, %dma_start3A_394] : memref<10000x128xf32, #tpu.memory_space<vmem_shared>> -> memref<80x128xf32, #tpu.memory_space<vmem_shared>>
        tpu.enqueue_dma source(%arg9 : memref<80x128xf32, #tpu.memory_space<vmem>>) target(%dma_start3A_395 : memref<80x128xf32, #tpu.memory_space<vmem_shared>>) target_semaphore(%run_scoped3A : memref<!tpu.dma_semaphore, #tpu.memory_space<semaphore_mem>>)
        %dma_wait3A_396 = arith.constant 0 : i32
        %dma_wait3A_397 = tpu.memref_slice %arg14[%mul3A_391, %dma_wait3A_396] : memref<10000x128xf32, #tpu.memory_space<vmem_shared>> -> memref<80x128xf32, #tpu.memory_space<vmem_shared>>
        %dma_wait3A_398 = arith.constant 0 : i32
        %dma_wait3A_399 = tpu.memref_slice %arg14[%mul3A_391, %dma_wait3A_398] : memref<10000x128xf32, #tpu.memory_space<vmem_shared>> -> memref<80x128xf32, #tpu.memory_space<vmem_shared>>
        tpu.wait_dma2 semaphore(%run_scoped3A : memref<!tpu.dma_semaphore, #tpu.memory_space<semaphore_mem>>) src(%arg9 : memref<80x128xf32, #tpu.memory_space<vmem>>) dst(%dma_wait3A_399 : memref<80x128xf32, #tpu.memory_space<vmem_shared>>)
        tpu.yield
      }) : () -> ()
    } else {
    }
    %add3A_84 = arith.constant 96 : i32
    %add3A_85 = arith.addi %add3A_84, %arg1 : i32
    %lt3A_86 = arith.constant 125 : i32
    %lt3A_87 = arith.cmpi slt, %add3A_85, %lt3A_86 : i32
    %convert_element_type3A_88 = arith.extui %lt3A_87 : i1 to i32
    %cond3A_89 = arith.constant 0 : i32
    %cond3A_90 = arith.cmpi ne, %convert_element_type3A_88, %cond3A_89 : i32
    scf.if %cond3A_90 {
      %mul3A_390 = arith.constant 80 : i32
      %mul3A_391 = arith.muli %add3A_85, %mul3A_390 : i32
      "tpu.region"() ({
        %run_scoped3A = tpu.sem_alloc : memref<!tpu.dma_semaphore, #tpu.memory_space<semaphore_mem>>
        %dma_start3A_392 = arith.constant 0 : i32
        %dma_start3A_393 = tpu.memref_slice %arg14[%mul3A_391, %dma_start3A_392] : memref<10000x128xf32, #tpu.memory_space<vmem_shared>> -> memref<80x128xf32, #tpu.memory_space<vmem_shared>>
        %dma_start3A_394 = arith.constant 0 : i32
        %dma_start3A_395 = tpu.memref_slice %arg14[%mul3A_391, %dma_start3A_394] : memref<10000x128xf32, #tpu.memory_space<vmem_shared>> -> memref<80x128xf32, #tpu.memory_space<vmem_shared>>
        tpu.enqueue_dma source(%arg9 : memref<80x128xf32, #tpu.memory_space<vmem>>) target(%dma_start3A_395 : memref<80x128xf32, #tpu.memory_space<vmem_shared>>) target_semaphore(%run_scoped3A : memref<!tpu.dma_semaphore, #tpu.memory_space<semaphore_mem>>)
        %dma_wait3A_396 = arith.constant 0 : i32
        %dma_wait3A_397 = tpu.memref_slice %arg14[%mul3A_391, %dma_wait3A_396] : memref<10000x128xf32, #tpu.memory_space<vmem_shared>> -> memref<80x128xf32, #tpu.memory_space<vmem_shared>>
        %dma_wait3A_398 = arith.constant 0 : i32
        %dma_wait3A_399 = tpu.memref_slice %arg14[%mul3A_391, %dma_wait3A_398] : memref<10000x128xf32, #tpu.memory_space<vmem_shared>> -> memref<80x128xf32, #tpu.memory_space<vmem_shared>>
        tpu.wait_dma2 semaphore(%run_scoped3A : memref<!tpu.dma_semaphore, #tpu.memory_space<semaphore_mem>>) src(%arg9 : memref<80x128xf32, #tpu.memory_space<vmem>>) dst(%dma_wait3A_399 : memref<80x128xf32, #tpu.memory_space<vmem_shared>>)
        tpu.yield
      }) : () -> ()
    } else {
    }
    %add3A_91 = arith.constant 112 : i32
    %add3A_92 = arith.addi %add3A_91, %arg1 : i32
    %lt3A_93 = arith.constant 125 : i32
    %lt3A_94 = arith.cmpi slt, %add3A_92, %lt3A_93 : i32
    %convert_element_type3A_95 = arith.extui %lt3A_94 : i1 to i32
    %cond3A_96 = arith.constant 0 : i32
    %cond3A_97 = arith.cmpi ne, %convert_element_type3A_95, %cond3A_96 : i32
    scf.if %cond3A_97 {
      %mul3A_390 = arith.constant 80 : i32
      %mul3A_391 = arith.muli %add3A_92, %mul3A_390 : i32
      "tpu.region"() ({
        %run_scoped3A = tpu.sem_alloc : memref<!tpu.dma_semaphore, #tpu.memory_space<semaphore_mem>>
        %dma_start3A_392 = arith.constant 0 : i32
        %dma_start3A_393 = tpu.memref_slice %arg14[%mul3A_391, %dma_start3A_392] : memref<10000x128xf32, #tpu.memory_space<vmem_shared>> -> memref<80x128xf32, #tpu.memory_space<vmem_shared>>
        %dma_start3A_394 = arith.constant 0 : i32
        %dma_start3A_395 = tpu.memref_slice %arg14[%mul3A_391, %dma_start3A_394] : memref<10000x128xf32, #tpu.memory_space<vmem_shared>> -> memref<80x128xf32, #tpu.memory_space<vmem_shared>>
        tpu.enqueue_dma source(%arg9 : memref<80x128xf32, #tpu.memory_space<vmem>>) target(%dma_start3A_395 : memref<80x128xf32, #tpu.memory_space<vmem_shared>>) target_semaphore(%run_scoped3A : memref<!tpu.dma_semaphore, #tpu.memory_space<semaphore_mem>>)
        %dma_wait3A_396 = arith.constant 0 : i32
        %dma_wait3A_397 = tpu.memref_slice %arg14[%mul3A_391, %dma_wait3A_396] : memref<10000x128xf32, #tpu.memory_space<vmem_shared>> -> memref<80x128xf32, #tpu.memory_space<vmem_shared>>
        %dma_wait3A_398 = arith.constant 0 : i32
        %dma_wait3A_399 = tpu.memref_slice %arg14[%mul3A_391, %dma_wait3A_398] : memref<10000x128xf32, #tpu.memory_space<vmem_shared>> -> memref<80x128xf32, #tpu.memory_space<vmem_shared>>
        tpu.wait_dma2 semaphore(%run_scoped3A : memref<!tpu.dma_semaphore, #tpu.memory_space<semaphore_mem>>) src(%arg9 : memref<80x128xf32, #tpu.memory_space<vmem>>) dst(%dma_wait3A_399 : memref<80x128xf32, #tpu.memory_space<vmem_shared>>)
        tpu.yield
      }) : () -> ()
    } else {
    }
    %barrier3A = arith.constant 0 : index
    tpu.barrier barrier_id(%barrier3A)
    %scan3A = arith.constant 0 : i32
    %scan3A_98 = arith.constant 0 : i32
    %scan3A_99 = arith.constant 30 : i32
    %scan3A_100 = arith.addi %scan3A_98, %scan3A_99 : i32
    %scan3A_101 = arith.constant 1 : i32
    scf.for %scan3A_390 = %scan3A_98 to %scan3A_100 step %scan3A_101  : i32 {
      %mul3A_391 = arith.constant 4 : i32
      %mul3A_392 = arith.muli %mul3A_391, %scan3A_390 : i32
      %add3A_393 = arith.constant 0 : i32
      %add3A_394 = arith.addi %mul3A_392, %add3A_393 : i32
      %gt3A = arith.constant 0 : i32
      %gt3A_395 = arith.cmpi sgt, %scan3A_390, %gt3A : i32
      %convert_element_type3A_396 = arith.extui %gt3A_395 : i1 to i32
      %cond3A_397 = arith.constant 0 : i32
      %cond3A_398 = arith.cmpi ne, %convert_element_type3A_396, %cond3A_397 : i32
      scf.if %cond3A_398 {
        %dma_wait3A_525 = arith.constant 0 : i32
        %dma_wait3A_526 = arith.constant 0 : i32
        %dma_wait3A_527 = tpu.memref_slice %arg14[%dma_wait3A_525, %dma_wait3A_526] : memref<10000x128xf32, #tpu.memory_space<vmem_shared>> -> memref<10000x128xf32, #tpu.memory_space<vmem_shared>>
        tpu.wait_indirect_dma semaphore(%arg18 : memref<!tpu.dma_semaphore, #tpu.memory_space<semaphore_mem>>) src(%arg9 : memref<80x128xf32, #tpu.memory_space<vmem>>) dst(%dma_wait3A_527 : memref<10000x128xf32, #tpu.memory_space<vmem_shared>>)
        %add3A_528 = arith.constant 4 : i32
        %add3A_529 = arith.addi %add3A_394, %add3A_528 : i32
        %sub3A_530 = arith.constant 1 : i32
        %sub3A_531 = arith.subi %add3A_529, %sub3A_530 : i32
        %dma_start3A_532 = arith.constant 0 : i32
        %dma_start3A_533 = arith.constant 0 : i32
        %dma_start3A_534 = tpu.memref_slice %arg2[%add3A, %sub3A_531, %dma_start3A_532, %dma_start3A_533] : memref<32x125x80x128xf32, #tpu.memory_space<hbm>> -> memref<1x1x80x128xf32, #tpu.memory_space<hbm>>
        %dma_start3A_535 = tpu.memref_squeeze %dma_start3A_534 : memref<1x1x80x128xf32, #tpu.memory_space<hbm>> -> memref<80x128xf32, #tpu.memory_space<hbm>>
        %dma_start3A_536 = arith.constant 0 : i32
        %dma_start3A_537 = arith.constant 0 : i32
        %dma_start3A_538 = tpu.memref_slice %arg2[%add3A, %sub3A_531, %dma_start3A_536, %dma_start3A_537] : memref<32x125x80x128xf32, #tpu.memory_space<hbm>> -> memref<1x1x80x128xf32, #tpu.memory_space<hbm>>
        %dma_start3A_539 = tpu.memref_squeeze %dma_start3A_538 : memref<1x1x80x128xf32, #tpu.memory_space<hbm>> -> memref<80x128xf32, #tpu.memory_space<hbm>>
        tpu.enqueue_dma source(%dma_start3A_539 : memref<80x128xf32, #tpu.memory_space<hbm>>) target(%arg9 : memref<80x128xf32, #tpu.memory_space<vmem>>) target_semaphore(%arg22 : memref<!tpu.dma_semaphore, #tpu.memory_space<semaphore_mem>>)
        %mul3A_540 = arith.constant 10000 : i32
        %mul3A_541 = arith.muli %add3A, %mul3A_540 : i32
        %mul3A_542 = arith.constant 80 : i32
        %mul3A_543 = arith.muli %sub3A_531, %mul3A_542 : i32
        %add3A_544 = arith.addi %mul3A_541, %mul3A_543 : i32
        %dma_start3A_545 = tpu.memref_slice %arg3[%add3A_544] : memref<320000xi32, #tpu.memory_space<hbm>> -> memref<80xi32, #tpu.memory_space<hbm>>
        %dma_start3A_546 = tpu.memref_slice %arg3[%add3A_544] : memref<320000xi32, #tpu.memory_space<hbm>> -> memref<80xi32, #tpu.memory_space<hbm>>
        tpu.enqueue_dma source(%dma_start3A_546 : memref<80xi32, #tpu.memory_space<hbm>>) target(%arg13 : memref<80xi32, #tpu.memory_space<vmem>>) target_semaphore(%arg22 : memref<!tpu.dma_semaphore, #tpu.memory_space<semaphore_mem>>)
        %dma_wait3A_547 = arith.constant 0 : i32
        %dma_wait3A_548 = arith.constant 0 : i32
        %dma_wait3A_549 = tpu.memref_slice %arg2[%add3A, %add3A_394, %dma_wait3A_547, %dma_wait3A_548] : memref<32x125x80x128xf32, #tpu.memory_space<hbm>> -> memref<1x1x80x128xf32, #tpu.memory_space<hbm>>
        %dma_wait3A_550 = tpu.memref_squeeze %dma_wait3A_549 : memref<1x1x80x128xf32, #tpu.memory_space<hbm>> -> memref<80x128xf32, #tpu.memory_space<hbm>>
        %dma_wait3A_551 = arith.constant 0 : i32
        %dma_wait3A_552 = arith.constant 0 : i32
        %dma_wait3A_553 = tpu.memref_slice %arg2[%add3A, %add3A_394, %dma_wait3A_551, %dma_wait3A_552] : memref<32x125x80x128xf32, #tpu.memory_space<hbm>> -> memref<1x1x80x128xf32, #tpu.memory_space<hbm>>
        %dma_wait3A_554 = tpu.memref_squeeze %dma_wait3A_553 : memref<1x1x80x128xf32, #tpu.memory_space<hbm>> -> memref<80x128xf32, #tpu.memory_space<hbm>>
        tpu.wait_dma2 semaphore(%arg19 : memref<!tpu.dma_semaphore, #tpu.memory_space<semaphore_mem>>) src(%dma_wait3A_554 : memref<80x128xf32, #tpu.memory_space<hbm>>) dst(%arg6 : memref<80x128xf32, #tpu.memory_space<vmem>>)
        %dma_wait3A_555 = arith.constant 0 : i32
        %dma_wait3A_556 = tpu.memref_slice %arg3[%dma_wait3A_555] : memref<320000xi32, #tpu.memory_space<hbm>> -> memref<80xi32, #tpu.memory_space<hbm>>
        %dma_wait3A_557 = arith.constant 0 : i32
        %dma_wait3A_558 = tpu.memref_slice %arg3[%dma_wait3A_557] : memref<320000xi32, #tpu.memory_space<hbm>> -> memref<80xi32, #tpu.memory_space<hbm>>
        tpu.wait_dma2 semaphore(%arg19 : memref<!tpu.dma_semaphore, #tpu.memory_space<semaphore_mem>>) src(%dma_wait3A_558 : memref<80xi32, #tpu.memory_space<hbm>>) dst(%arg10 : memref<80xi32, #tpu.memory_space<vmem>>)
        %dma_start3A_559 = arith.constant 0 : i32
        %dma_start3A_560 = arith.constant 0 : i32
        %dma_start3A_561 = tpu.memref_slice %arg14[%dma_start3A_559, %dma_start3A_560] : memref<10000x128xf32, #tpu.memory_space<vmem_shared>> -> memref<10000x128xf32, #tpu.memory_space<vmem_shared>>
        tpu.enqueue_indirect_dma source(%arg6 : memref<80x128xf32, #tpu.memory_space<vmem>>) target(%dma_start3A_561 : memref<10000x128xf32, #tpu.memory_space<vmem_shared>>) offsets(%arg10 : memref<80xi32, #tpu.memory_space<vmem>>) semaphore(%arg15 : memref<!tpu.dma_semaphore, #tpu.memory_space<semaphore_mem>>) {add = true}
      } else {
      }
      %eq3A = arith.constant 0 : i32
      %eq3A_399 = arith.cmpi eq, %scan3A_390, %eq3A : i32
      %convert_element_type3A_400 = arith.extui %eq3A_399 : i1 to i32
      %cond3A_401 = arith.constant 0 : i32
      %cond3A_402 = arith.cmpi ne, %convert_element_type3A_400, %cond3A_401 : i32
      scf.if %cond3A_402 {
        %dma_start3A_525 = arith.constant 3 : i32
        %dma_start3A_526 = arith.constant 0 : i32
        %dma_start3A_527 = arith.constant 0 : i32
        %dma_start3A_528 = tpu.memref_slice %arg2[%add3A, %dma_start3A_525, %dma_start3A_526, %dma_start3A_527] : memref<32x125x80x128xf32, #tpu.memory_space<hbm>> -> memref<1x1x80x128xf32, #tpu.memory_space<hbm>>
        %dma_start3A_529 = tpu.memref_squeeze %dma_start3A_528 : memref<1x1x80x128xf32, #tpu.memory_space<hbm>> -> memref<80x128xf32, #tpu.memory_space<hbm>>
        %dma_start3A_530 = arith.constant 0 : i32
        %dma_start3A_531 = arith.constant 0 : i32
        %dma_start3A_532 = tpu.memref_slice %arg2[%add3A, %dma_start3A_525, %dma_start3A_530, %dma_start3A_531] : memref<32x125x80x128xf32, #tpu.memory_space<hbm>> -> memref<1x1x80x128xf32, #tpu.memory_space<hbm>>
        %dma_start3A_533 = tpu.memref_squeeze %dma_start3A_532 : memref<1x1x80x128xf32, #tpu.memory_space<hbm>> -> memref<80x128xf32, #tpu.memory_space<hbm>>
        tpu.enqueue_dma source(%dma_start3A_533 : memref<80x128xf32, #tpu.memory_space<hbm>>) target(%arg9 : memref<80x128xf32, #tpu.memory_space<vmem>>) target_semaphore(%arg22 : memref<!tpu.dma_semaphore, #tpu.memory_space<semaphore_mem>>)
        %mul3A_534 = arith.constant 10000 : i32
        %mul3A_535 = arith.muli %add3A, %mul3A_534 : i32
        %add3A_536 = arith.constant 240 : i32
        %add3A_537 = arith.addi %mul3A_535, %add3A_536 : i32
        %dma_start3A_538 = tpu.memref_slice %arg3[%add3A_537] : memref<320000xi32, #tpu.memory_space<hbm>> -> memref<80xi32, #tpu.memory_space<hbm>>
        %dma_start3A_539 = tpu.memref_slice %arg3[%add3A_537] : memref<320000xi32, #tpu.memory_space<hbm>> -> memref<80xi32, #tpu.memory_space<hbm>>
        tpu.enqueue_dma source(%dma_start3A_539 : memref<80xi32, #tpu.memory_space<hbm>>) target(%arg13 : memref<80xi32, #tpu.memory_space<vmem>>) target_semaphore(%arg22 : memref<!tpu.dma_semaphore, #tpu.memory_space<semaphore_mem>>)
        %dma_wait3A_540 = arith.constant 0 : i32
        %dma_wait3A_541 = arith.constant 0 : i32
        %dma_wait3A_542 = arith.constant 0 : i32
        %dma_wait3A_543 = tpu.memref_slice %arg2[%add3A, %dma_wait3A_540, %dma_wait3A_541, %dma_wait3A_542] : memref<32x125x80x128xf32, #tpu.memory_space<hbm>> -> memref<1x1x80x128xf32, #tpu.memory_space<hbm>>
        %dma_wait3A_544 = tpu.memref_squeeze %dma_wait3A_543 : memref<1x1x80x128xf32, #tpu.memory_space<hbm>> -> memref<80x128xf32, #tpu.memory_space<hbm>>
        %dma_wait3A_545 = arith.constant 0 : i32
        %dma_wait3A_546 = arith.constant 0 : i32
        %dma_wait3A_547 = tpu.memref_slice %arg2[%add3A, %dma_wait3A_540, %dma_wait3A_545, %dma_wait3A_546] : memref<32x125x80x128xf32, #tpu.memory_space<hbm>> -> memref<1x1x80x128xf32, #tpu.memory_space<hbm>>
        %dma_wait3A_548 = tpu.memref_squeeze %dma_wait3A_547 : memref<1x1x80x128xf32, #tpu.memory_space<hbm>> -> memref<80x128xf32, #tpu.memory_space<hbm>>
        tpu.wait_dma2 semaphore(%arg19 : memref<!tpu.dma_semaphore, #tpu.memory_space<semaphore_mem>>) src(%dma_wait3A_548 : memref<80x128xf32, #tpu.memory_space<hbm>>) dst(%arg6 : memref<80x128xf32, #tpu.memory_space<vmem>>)
        %dma_wait3A_549 = arith.constant 0 : i32
        %dma_wait3A_550 = tpu.memref_slice %arg3[%dma_wait3A_549] : memref<320000xi32, #tpu.memory_space<hbm>> -> memref<80xi32, #tpu.memory_space<hbm>>
        %dma_wait3A_551 = arith.constant 0 : i32
        %dma_wait3A_552 = tpu.memref_slice %arg3[%dma_wait3A_551] : memref<320000xi32, #tpu.memory_space<hbm>> -> memref<80xi32, #tpu.memory_space<hbm>>
        tpu.wait_dma2 semaphore(%arg19 : memref<!tpu.dma_semaphore, #tpu.memory_space<semaphore_mem>>) src(%dma_wait3A_552 : memref<80xi32, #tpu.memory_space<hbm>>) dst(%arg10 : memref<80xi32, #tpu.memory_space<vmem>>)
        %dma_start3A_553 = arith.constant 0 : i32
        %dma_start3A_554 = arith.constant 0 : i32
        %dma_start3A_555 = tpu.memref_slice %arg14[%dma_start3A_553, %dma_start3A_554] : memref<10000x128xf32, #tpu.memory_space<vmem_shared>> -> memref<10000x128xf32, #tpu.memory_space<vmem_shared>>
        tpu.enqueue_indirect_dma source(%arg6 : memref<80x128xf32, #tpu.memory_space<vmem>>) target(%dma_start3A_555 : memref<10000x128xf32, #tpu.memory_space<vmem_shared>>) offsets(%arg10 : memref<80xi32, #tpu.memory_space<vmem>>) semaphore(%arg15 : memref<!tpu.dma_semaphore, #tpu.memory_space<semaphore_mem>>) {add = true}
      } else {
      }
      %mul3A_403 = arith.constant 4 : i32
      %mul3A_404 = arith.muli %mul3A_403, %scan3A_390 : i32
      %add3A_405 = arith.constant 1 : i32
      %add3A_406 = arith.addi %mul3A_404, %add3A_405 : i32
      %dma_wait3A_407 = arith.constant 0 : i32
      %dma_wait3A_408 = arith.constant 0 : i32
      %dma_wait3A_409 = tpu.memref_slice %arg14[%dma_wait3A_407, %dma_wait3A_408] : memref<10000x128xf32, #tpu.memory_space<vmem_shared>> -> memref<10000x128xf32, #tpu.memory_space<vmem_shared>>
      tpu.wait_indirect_dma semaphore(%arg15 : memref<!tpu.dma_semaphore, #tpu.memory_space<semaphore_mem>>) src(%arg6 : memref<80x128xf32, #tpu.memory_space<vmem>>) dst(%dma_wait3A_409 : memref<10000x128xf32, #tpu.memory_space<vmem_shared>>)
      %add3A_410 = arith.constant 4 : i32
      %add3A_411 = arith.addi %add3A_406, %add3A_410 : i32
      %sub3A = arith.constant 1 : i32
      %sub3A_412 = arith.subi %add3A_411, %sub3A : i32
      %dma_start3A_413 = arith.constant 0 : i32
      %dma_start3A_414 = arith.constant 0 : i32
      %dma_start3A_415 = tpu.memref_slice %arg2[%add3A, %sub3A_412, %dma_start3A_413, %dma_start3A_414] : memref<32x125x80x128xf32, #tpu.memory_space<hbm>> -> memref<1x1x80x128xf32, #tpu.memory_space<hbm>>
      %dma_start3A_416 = tpu.memref_squeeze %dma_start3A_415 : memref<1x1x80x128xf32, #tpu.memory_space<hbm>> -> memref<80x128xf32, #tpu.memory_space<hbm>>
      %dma_start3A_417 = arith.constant 0 : i32
      %dma_start3A_418 = arith.constant 0 : i32
      %dma_start3A_419 = tpu.memref_slice %arg2[%add3A, %sub3A_412, %dma_start3A_417, %dma_start3A_418] : memref<32x125x80x128xf32, #tpu.memory_space<hbm>> -> memref<1x1x80x128xf32, #tpu.memory_space<hbm>>
      %dma_start3A_420 = tpu.memref_squeeze %dma_start3A_419 : memref<1x1x80x128xf32, #tpu.memory_space<hbm>> -> memref<80x128xf32, #tpu.memory_space<hbm>>
      tpu.enqueue_dma source(%dma_start3A_420 : memref<80x128xf32, #tpu.memory_space<hbm>>) target(%arg6 : memref<80x128xf32, #tpu.memory_space<vmem>>) target_semaphore(%arg19 : memref<!tpu.dma_semaphore, #tpu.memory_space<semaphore_mem>>)
      %mul3A_421 = arith.constant 10000 : i32
      %mul3A_422 = arith.muli %add3A, %mul3A_421 : i32
      %mul3A_423 = arith.constant 80 : i32
      %mul3A_424 = arith.muli %sub3A_412, %mul3A_423 : i32
      %add3A_425 = arith.addi %mul3A_422, %mul3A_424 : i32
      %dma_start3A_426 = tpu.memref_slice %arg3[%add3A_425] : memref<320000xi32, #tpu.memory_space<hbm>> -> memref<80xi32, #tpu.memory_space<hbm>>
      %dma_start3A_427 = tpu.memref_slice %arg3[%add3A_425] : memref<320000xi32, #tpu.memory_space<hbm>> -> memref<80xi32, #tpu.memory_space<hbm>>
      tpu.enqueue_dma source(%dma_start3A_427 : memref<80xi32, #tpu.memory_space<hbm>>) target(%arg10 : memref<80xi32, #tpu.memory_space<vmem>>) target_semaphore(%arg19 : memref<!tpu.dma_semaphore, #tpu.memory_space<semaphore_mem>>)
      %dma_wait3A_428 = arith.constant 0 : i32
      %dma_wait3A_429 = arith.constant 0 : i32
      %dma_wait3A_430 = tpu.memref_slice %arg2[%add3A, %add3A_406, %dma_wait3A_428, %dma_wait3A_429] : memref<32x125x80x128xf32, #tpu.memory_space<hbm>> -> memref<1x1x80x128xf32, #tpu.memory_space<hbm>>
      %dma_wait3A_431 = tpu.memref_squeeze %dma_wait3A_430 : memref<1x1x80x128xf32, #tpu.memory_space<hbm>> -> memref<80x128xf32, #tpu.memory_space<hbm>>
      %dma_wait3A_432 = arith.constant 0 : i32
      %dma_wait3A_433 = arith.constant 0 : i32
      %dma_wait3A_434 = tpu.memref_slice %arg2[%add3A, %add3A_406, %dma_wait3A_432, %dma_wait3A_433] : memref<32x125x80x128xf32, #tpu.memory_space<hbm>> -> memref<1x1x80x128xf32, #tpu.memory_space<hbm>>
      %dma_wait3A_435 = tpu.memref_squeeze %dma_wait3A_434 : memref<1x1x80x128xf32, #tpu.memory_space<hbm>> -> memref<80x128xf32, #tpu.memory_space<hbm>>
      tpu.wait_dma2 semaphore(%arg20 : memref<!tpu.dma_semaphore, #tpu.memory_space<semaphore_mem>>) src(%dma_wait3A_435 : memref<80x128xf32, #tpu.memory_space<hbm>>) dst(%arg7 : memref<80x128xf32, #tpu.memory_space<vmem>>)
      %dma_wait3A_436 = arith.constant 0 : i32
      %dma_wait3A_437 = tpu.memref_slice %arg3[%dma_wait3A_436] : memref<320000xi32, #tpu.memory_space<hbm>> -> memref<80xi32, #tpu.memory_space<hbm>>
      %dma_wait3A_438 = arith.constant 0 : i32
      %dma_wait3A_439 = tpu.memref_slice %arg3[%dma_wait3A_438] : memref<320000xi32, #tpu.memory_space<hbm>> -> memref<80xi32, #tpu.memory_space<hbm>>
      tpu.wait_dma2 semaphore(%arg20 : memref<!tpu.dma_semaphore, #tpu.memory_space<semaphore_mem>>) src(%dma_wait3A_439 : memref<80xi32, #tpu.memory_space<hbm>>) dst(%arg11 : memref<80xi32, #tpu.memory_space<vmem>>)
      %dma_start3A_440 = arith.constant 0 : i32
      %dma_start3A_441 = arith.constant 0 : i32
      %dma_start3A_442 = tpu.memref_slice %arg14[%dma_start3A_440, %dma_start3A_441] : memref<10000x128xf32, #tpu.memory_space<vmem_shared>> -> memref<10000x128xf32, #tpu.memory_space<vmem_shared>>
      tpu.enqueue_indirect_dma source(%arg7 : memref<80x128xf32, #tpu.memory_space<vmem>>) target(%dma_start3A_442 : memref<10000x128xf32, #tpu.memory_space<vmem_shared>>) offsets(%arg11 : memref<80xi32, #tpu.memory_space<vmem>>) semaphore(%arg16 : memref<!tpu.dma_semaphore, #tpu.memory_space<semaphore_mem>>) {add = true}
      %mul3A_443 = arith.constant 4 : i32
      %mul3A_444 = arith.muli %mul3A_443, %scan3A_390 : i32
      %add3A_445 = arith.constant 2 : i32
      %add3A_446 = arith.addi %mul3A_444, %add3A_445 : i32
      %dma_wait3A_447 = arith.constant 0 : i32
      %dma_wait3A_448 = arith.constant 0 : i32
      %dma_wait3A_449 = tpu.memref_slice %arg14[%dma_wait3A_447, %dma_wait3A_448] : memref<10000x128xf32, #tpu.memory_space<vmem_shared>> -> memref<10000x128xf32, #tpu.memory_space<vmem_shared>>
      tpu.wait_indirect_dma semaphore(%arg16 : memref<!tpu.dma_semaphore, #tpu.memory_space<semaphore_mem>>) src(%arg7 : memref<80x128xf32, #tpu.memory_space<vmem>>) dst(%dma_wait3A_449 : memref<10000x128xf32, #tpu.memory_space<vmem_shared>>)
      %add3A_450 = arith.constant 4 : i32
      %add3A_451 = arith.addi %add3A_446, %add3A_450 : i32
      %sub3A_452 = arith.constant 1 : i32
      %sub3A_453 = arith.subi %add3A_451, %sub3A_452 : i32
      %dma_start3A_454 = arith.constant 0 : i32
      %dma_start3A_455 = arith.constant 0 : i32
      %dma_start3A_456 = tpu.memref_slice %arg2[%add3A, %sub3A_453, %dma_start3A_454, %dma_start3A_455] : memref<32x125x80x128xf32, #tpu.memory_space<hbm>> -> memref<1x1x80x128xf32, #tpu.memory_space<hbm>>
      %dma_start3A_457 = tpu.memref_squeeze %dma_start3A_456 : memref<1x1x80x128xf32, #tpu.memory_space<hbm>> -> memref<80x128xf32, #tpu.memory_space<hbm>>
      %dma_start3A_458 = arith.constant 0 : i32
      %dma_start3A_459 = arith.constant 0 : i32
      %dma_start3A_460 = tpu.memref_slice %arg2[%add3A, %sub3A_453, %dma_start3A_458, %dma_start3A_459] : memref<32x125x80x128xf32, #tpu.memory_space<hbm>> -> memref<1x1x80x128xf32, #tpu.memory_space<hbm>>
      %dma_start3A_461 = tpu.memref_squeeze %dma_start3A_460 : memref<1x1x80x128xf32, #tpu.memory_space<hbm>> -> memref<80x128xf32, #tpu.memory_space<hbm>>
      tpu.enqueue_dma source(%dma_start3A_461 : memref<80x128xf32, #tpu.memory_space<hbm>>) target(%arg7 : memref<80x128xf32, #tpu.memory_space<vmem>>) target_semaphore(%arg20 : memref<!tpu.dma_semaphore, #tpu.memory_space<semaphore_mem>>)
      %mul3A_462 = arith.constant 10000 : i32
      %mul3A_463 = arith.muli %add3A, %mul3A_462 : i32
      %mul3A_464 = arith.constant 80 : i32
      %mul3A_465 = arith.muli %sub3A_453, %mul3A_464 : i32
      %add3A_466 = arith.addi %mul3A_463, %mul3A_465 : i32
      %dma_start3A_467 = tpu.memref_slice %arg3[%add3A_466] : memref<320000xi32, #tpu.memory_space<hbm>> -> memref<80xi32, #tpu.memory_space<hbm>>
      %dma_start3A_468 = tpu.memref_slice %arg3[%add3A_466] : memref<320000xi32, #tpu.memory_space<hbm>> -> memref<80xi32, #tpu.memory_space<hbm>>
      tpu.enqueue_dma source(%dma_start3A_468 : memref<80xi32, #tpu.memory_space<hbm>>) target(%arg11 : memref<80xi32, #tpu.memory_space<vmem>>) target_semaphore(%arg20 : memref<!tpu.dma_semaphore, #tpu.memory_space<semaphore_mem>>)
      %dma_wait3A_469 = arith.constant 0 : i32
      %dma_wait3A_470 = arith.constant 0 : i32
      %dma_wait3A_471 = tpu.memref_slice %arg2[%add3A, %add3A_446, %dma_wait3A_469, %dma_wait3A_470] : memref<32x125x80x128xf32, #tpu.memory_space<hbm>> -> memref<1x1x80x128xf32, #tpu.memory_space<hbm>>
      %dma_wait3A_472 = tpu.memref_squeeze %dma_wait3A_471 : memref<1x1x80x128xf32, #tpu.memory_space<hbm>> -> memref<80x128xf32, #tpu.memory_space<hbm>>
      %dma_wait3A_473 = arith.constant 0 : i32
      %dma_wait3A_474 = arith.constant 0 : i32
      %dma_wait3A_475 = tpu.memref_slice %arg2[%add3A, %add3A_446, %dma_wait3A_473, %dma_wait3A_474] : memref<32x125x80x128xf32, #tpu.memory_space<hbm>> -> memref<1x1x80x128xf32, #tpu.memory_space<hbm>>
      %dma_wait3A_476 = tpu.memref_squeeze %dma_wait3A_475 : memref<1x1x80x128xf32, #tpu.memory_space<hbm>> -> memref<80x128xf32, #tpu.memory_space<hbm>>
      tpu.wait_dma2 semaphore(%arg21 : memref<!tpu.dma_semaphore, #tpu.memory_space<semaphore_mem>>) src(%dma_wait3A_476 : memref<80x128xf32, #tpu.memory_space<hbm>>) dst(%arg8 : memref<80x128xf32, #tpu.memory_space<vmem>>)
      %dma_wait3A_477 = arith.constant 0 : i32
      %dma_wait3A_478 = tpu.memref_slice %arg3[%dma_wait3A_477] : memref<320000xi32, #tpu.memory_space<hbm>> -> memref<80xi32, #tpu.memory_space<hbm>>
      %dma_wait3A_479 = arith.constant 0 : i32
      %dma_wait3A_480 = tpu.memref_slice %arg3[%dma_wait3A_479] : memref<320000xi32, #tpu.memory_space<hbm>> -> memref<80xi32, #tpu.memory_space<hbm>>
      tpu.wait_dma2 semaphore(%arg21 : memref<!tpu.dma_semaphore, #tpu.memory_space<semaphore_mem>>) src(%dma_wait3A_480 : memref<80xi32, #tpu.memory_space<hbm>>) dst(%arg12 : memref<80xi32, #tpu.memory_space<vmem>>)
      %dma_start3A_481 = arith.constant 0 : i32
      %dma_start3A_482 = arith.constant 0 : i32
      %dma_start3A_483 = tpu.memref_slice %arg14[%dma_start3A_481, %dma_start3A_482] : memref<10000x128xf32, #tpu.memory_space<vmem_shared>> -> memref<10000x128xf32, #tpu.memory_space<vmem_shared>>
      tpu.enqueue_indirect_dma source(%arg8 : memref<80x128xf32, #tpu.memory_space<vmem>>) target(%dma_start3A_483 : memref<10000x128xf32, #tpu.memory_space<vmem_shared>>) offsets(%arg12 : memref<80xi32, #tpu.memory_space<vmem>>) semaphore(%arg17 : memref<!tpu.dma_semaphore, #tpu.memory_space<semaphore_mem>>) {add = true}
      %mul3A_484 = arith.constant 4 : i32
      %mul3A_485 = arith.muli %mul3A_484, %scan3A_390 : i32
      %add3A_486 = arith.constant 3 : i32
      %add3A_487 = arith.addi %mul3A_485, %add3A_486 : i32
      %dma_wait3A_488 = arith.constant 0 : i32
      %dma_wait3A_489 = arith.constant 0 : i32
      %dma_wait3A_490 = tpu.memref_slice %arg14[%dma_wait3A_488, %dma_wait3A_489] : memref<10000x128xf32, #tpu.memory_space<vmem_shared>> -> memref<10000x128xf32, #tpu.memory_space<vmem_shared>>
      tpu.wait_indirect_dma semaphore(%arg17 : memref<!tpu.dma_semaphore, #tpu.memory_space<semaphore_mem>>) src(%arg8 : memref<80x128xf32, #tpu.memory_space<vmem>>) dst(%dma_wait3A_490 : memref<10000x128xf32, #tpu.memory_space<vmem_shared>>)
      %add3A_491 = arith.constant 4 : i32
      %add3A_492 = arith.addi %add3A_487, %add3A_491 : i32
      %sub3A_493 = arith.constant 1 : i32
      %sub3A_494 = arith.subi %add3A_492, %sub3A_493 : i32
      %dma_start3A_495 = arith.constant 0 : i32
      %dma_start3A_496 = arith.constant 0 : i32
      %dma_start3A_497 = tpu.memref_slice %arg2[%add3A, %sub3A_494, %dma_start3A_495, %dma_start3A_496] : memref<32x125x80x128xf32, #tpu.memory_space<hbm>> -> memref<1x1x80x128xf32, #tpu.memory_space<hbm>>
      %dma_start3A_498 = tpu.memref_squeeze %dma_start3A_497 : memref<1x1x80x128xf32, #tpu.memory_space<hbm>> -> memref<80x128xf32, #tpu.memory_space<hbm>>
      %dma_start3A_499 = arith.constant 0 : i32
      %dma_start3A_500 = arith.constant 0 : i32
      %dma_start3A_501 = tpu.memref_slice %arg2[%add3A, %sub3A_494, %dma_start3A_499, %dma_start3A_500] : memref<32x125x80x128xf32, #tpu.memory_space<hbm>> -> memref<1x1x80x128xf32, #tpu.memory_space<hbm>>
      %dma_start3A_502 = tpu.memref_squeeze %dma_start3A_501 : memref<1x1x80x128xf32, #tpu.memory_space<hbm>> -> memref<80x128xf32, #tpu.memory_space<hbm>>
      tpu.enqueue_dma source(%dma_start3A_502 : memref<80x128xf32, #tpu.memory_space<hbm>>) target(%arg8 : memref<80x128xf32, #tpu.memory_space<vmem>>) target_semaphore(%arg21 : memref<!tpu.dma_semaphore, #tpu.memory_space<semaphore_mem>>)
      %mul3A_503 = arith.constant 10000 : i32
      %mul3A_504 = arith.muli %add3A, %mul3A_503 : i32
      %mul3A_505 = arith.constant 80 : i32
      %mul3A_506 = arith.muli %sub3A_494, %mul3A_505 : i32
      %add3A_507 = arith.addi %mul3A_504, %mul3A_506 : i32
      %dma_start3A_508 = tpu.memref_slice %arg3[%add3A_507] : memref<320000xi32, #tpu.memory_space<hbm>> -> memref<80xi32, #tpu.memory_space<hbm>>
      %dma_start3A_509 = tpu.memref_slice %arg3[%add3A_507] : memref<320000xi32, #tpu.memory_space<hbm>> -> memref<80xi32, #tpu.memory_space<hbm>>
      tpu.enqueue_dma source(%dma_start3A_509 : memref<80xi32, #tpu.memory_space<hbm>>) target(%arg12 : memref<80xi32, #tpu.memory_space<vmem>>) target_semaphore(%arg21 : memref<!tpu.dma_semaphore, #tpu.memory_space<semaphore_mem>>)
      %dma_wait3A_510 = arith.constant 0 : i32
      %dma_wait3A_511 = arith.constant 0 : i32
      %dma_wait3A_512 = tpu.memref_slice %arg2[%add3A, %add3A_487, %dma_wait3A_510, %dma_wait3A_511] : memref<32x125x80x128xf32, #tpu.memory_space<hbm>> -> memref<1x1x80x128xf32, #tpu.memory_space<hbm>>
      %dma_wait3A_513 = tpu.memref_squeeze %dma_wait3A_512 : memref<1x1x80x128xf32, #tpu.memory_space<hbm>> -> memref<80x128xf32, #tpu.memory_space<hbm>>
      %dma_wait3A_514 = arith.constant 0 : i32
      %dma_wait3A_515 = arith.constant 0 : i32
      %dma_wait3A_516 = tpu.memref_slice %arg2[%add3A, %add3A_487, %dma_wait3A_514, %dma_wait3A_515] : memref<32x125x80x128xf32, #tpu.memory_space<hbm>> -> memref<1x1x80x128xf32, #tpu.memory_space<hbm>>
      %dma_wait3A_517 = tpu.memref_squeeze %dma_wait3A_516 : memref<1x1x80x128xf32, #tpu.memory_space<hbm>> -> memref<80x128xf32, #tpu.memory_space<hbm>>
      tpu.wait_dma2 semaphore(%arg22 : memref<!tpu.dma_semaphore, #tpu.memory_space<semaphore_mem>>) src(%dma_wait3A_517 : memref<80x128xf32, #tpu.memory_space<hbm>>) dst(%arg9 : memref<80x128xf32, #tpu.memory_space<vmem>>)
      %dma_wait3A_518 = arith.constant 0 : i32
      %dma_wait3A_519 = tpu.memref_slice %arg3[%dma_wait3A_518] : memref<320000xi32, #tpu.memory_space<hbm>> -> memref<80xi32, #tpu.memory_space<hbm>>
      %dma_wait3A_520 = arith.constant 0 : i32
      %dma_wait3A_521 = tpu.memref_slice %arg3[%dma_wait3A_520] : memref<320000xi32, #tpu.memory_space<hbm>> -> memref<80xi32, #tpu.memory_space<hbm>>
      tpu.wait_dma2 semaphore(%arg22 : memref<!tpu.dma_semaphore, #tpu.memory_space<semaphore_mem>>) src(%dma_wait3A_521 : memref<80xi32, #tpu.memory_space<hbm>>) dst(%arg13 : memref<80xi32, #tpu.memory_space<vmem>>)
      %dma_start3A_522 = arith.constant 0 : i32
      %dma_start3A_523 = arith.constant 0 : i32
      %dma_start3A_524 = tpu.memref_slice %arg14[%dma_start3A_522, %dma_start3A_523] : memref<10000x128xf32, #tpu.memory_space<vmem_shared>> -> memref<10000x128xf32, #tpu.memory_space<vmem_shared>>
      tpu.enqueue_indirect_dma source(%arg9 : memref<80x128xf32, #tpu.memory_space<vmem>>) target(%dma_start3A_524 : memref<10000x128xf32, #tpu.memory_space<vmem_shared>>) offsets(%arg13 : memref<80xi32, #tpu.memory_space<vmem>>) semaphore(%arg18 : memref<!tpu.dma_semaphore, #tpu.memory_space<semaphore_mem>>) {add = true}
    }
    %scan3A_102 = arith.constant 30 : i32
    %dma_wait3A = arith.constant 0 : i32
    %dma_wait3A_103 = arith.constant 0 : i32
    %dma_wait3A_104 = tpu.memref_slice %arg14[%dma_wait3A, %dma_wait3A_103] : memref<10000x128xf32, #tpu.memory_space<vmem_shared>> -> memref<10000x128xf32, #tpu.memory_space<vmem_shared>>
    tpu.wait_indirect_dma semaphore(%arg18 : memref<!tpu.dma_semaphore, #tpu.memory_space<semaphore_mem>>) src(%arg9 : memref<80x128xf32, #tpu.memory_space<vmem>>) dst(%dma_wait3A_104 : memref<10000x128xf32, #tpu.memory_space<vmem_shared>>)
    %dma_start3A_105 = arith.constant 123 : i32
    %dma_start3A_106 = arith.constant 0 : i32
    %dma_start3A_107 = arith.constant 0 : i32
    %dma_start3A_108 = tpu.memref_slice %arg2[%add3A, %dma_start3A_105, %dma_start3A_106, %dma_start3A_107] : memref<32x125x80x128xf32, #tpu.memory_space<hbm>> -> memref<1x1x80x128xf32, #tpu.memory_space<hbm>>
    %dma_start3A_109 = tpu.memref_squeeze %dma_start3A_108 : memref<1x1x80x128xf32, #tpu.memory_space<hbm>> -> memref<80x128xf32, #tpu.memory_space<hbm>>
    %dma_start3A_110 = arith.constant 0 : i32
    %dma_start3A_111 = arith.constant 0 : i32
    %dma_start3A_112 = tpu.memref_slice %arg2[%add3A, %dma_start3A_105, %dma_start3A_110, %dma_start3A_111] : memref<32x125x80x128xf32, #tpu.memory_space<hbm>> -> memref<1x1x80x128xf32, #tpu.memory_space<hbm>>
    %dma_start3A_113 = tpu.memref_squeeze %dma_start3A_112 : memref<1x1x80x128xf32, #tpu.memory_space<hbm>> -> memref<80x128xf32, #tpu.memory_space<hbm>>
    tpu.enqueue_dma source(%dma_start3A_113 : memref<80x128xf32, #tpu.memory_space<hbm>>) target(%arg9 : memref<80x128xf32, #tpu.memory_space<vmem>>) target_semaphore(%arg22 : memref<!tpu.dma_semaphore, #tpu.memory_space<semaphore_mem>>)
    %mul3A_114 = arith.constant 10000 : i32
    %mul3A_115 = arith.muli %add3A, %mul3A_114 : i32
    %add3A_116 = arith.constant 9840 : i32
    %add3A_117 = arith.addi %mul3A_115, %add3A_116 : i32
    %dma_start3A_118 = tpu.memref_slice %arg3[%add3A_117] : memref<320000xi32, #tpu.memory_space<hbm>> -> memref<80xi32, #tpu.memory_space<hbm>>
    %dma_start3A_119 = tpu.memref_slice %arg3[%add3A_117] : memref<320000xi32, #tpu.memory_space<hbm>> -> memref<80xi32, #tpu.memory_space<hbm>>
    tpu.enqueue_dma source(%dma_start3A_119 : memref<80xi32, #tpu.memory_space<hbm>>) target(%arg13 : memref<80xi32, #tpu.memory_space<vmem>>) target_semaphore(%arg22 : memref<!tpu.dma_semaphore, #tpu.memory_space<semaphore_mem>>)
    %dma_wait3A_120 = arith.constant 120 : i32
    %dma_wait3A_121 = arith.constant 0 : i32
    %dma_wait3A_122 = arith.constant 0 : i32
    %dma_wait3A_123 = tpu.memref_slice %arg2[%add3A, %dma_wait3A_120, %dma_wait3A_121, %dma_wait3A_122] : memref<32x125x80x128xf32, #tpu.memory_space<hbm>> -> memref<1x1x80x128xf32, #tpu.memory_space<hbm>>
    %dma_wait3A_124 = tpu.memref_squeeze %dma_wait3A_123 : memref<1x1x80x128xf32, #tpu.memory_space<hbm>> -> memref<80x128xf32, #tpu.memory_space<hbm>>
    %dma_wait3A_125 = arith.constant 0 : i32
    %dma_wait3A_126 = arith.constant 0 : i32
    %dma_wait3A_127 = tpu.memref_slice %arg2[%add3A, %dma_wait3A_120, %dma_wait3A_125, %dma_wait3A_126] : memref<32x125x80x128xf32, #tpu.memory_space<hbm>> -> memref<1x1x80x128xf32, #tpu.memory_space<hbm>>
    %dma_wait3A_128 = tpu.memref_squeeze %dma_wait3A_127 : memref<1x1x80x128xf32, #tpu.memory_space<hbm>> -> memref<80x128xf32, #tpu.memory_space<hbm>>
    tpu.wait_dma2 semaphore(%arg19 : memref<!tpu.dma_semaphore, #tpu.memory_space<semaphore_mem>>) src(%dma_wait3A_128 : memref<80x128xf32, #tpu.memory_space<hbm>>) dst(%arg6 : memref<80x128xf32, #tpu.memory_space<vmem>>)
    %dma_wait3A_129 = arith.constant 0 : i32
    %dma_wait3A_130 = tpu.memref_slice %arg3[%dma_wait3A_129] : memref<320000xi32, #tpu.memory_space<hbm>> -> memref<80xi32, #tpu.memory_space<hbm>>
    %dma_wait3A_131 = arith.constant 0 : i32
    %dma_wait3A_132 = tpu.memref_slice %arg3[%dma_wait3A_131] : memref<320000xi32, #tpu.memory_space<hbm>> -> memref<80xi32, #tpu.memory_space<hbm>>
    tpu.wait_dma2 semaphore(%arg19 : memref<!tpu.dma_semaphore, #tpu.memory_space<semaphore_mem>>) src(%dma_wait3A_132 : memref<80xi32, #tpu.memory_space<hbm>>) dst(%arg10 : memref<80xi32, #tpu.memory_space<vmem>>)
    %dma_start3A_133 = arith.constant 0 : i32
    %dma_start3A_134 = arith.constant 0 : i32
    %dma_start3A_135 = tpu.memref_slice %arg14[%dma_start3A_133, %dma_start3A_134] : memref<10000x128xf32, #tpu.memory_space<vmem_shared>> -> memref<10000x128xf32, #tpu.memory_space<vmem_shared>>
    tpu.enqueue_indirect_dma source(%arg6 : memref<80x128xf32, #tpu.memory_space<vmem>>) target(%dma_start3A_135 : memref<10000x128xf32, #tpu.memory_space<vmem_shared>>) offsets(%arg10 : memref<80xi32, #tpu.memory_space<vmem>>) semaphore(%arg15 : memref<!tpu.dma_semaphore, #tpu.memory_space<semaphore_mem>>) {add = true}
    %dma_wait3A_136 = arith.constant 0 : i32
    %dma_wait3A_137 = arith.constant 0 : i32
    %dma_wait3A_138 = tpu.memref_slice %arg14[%dma_wait3A_136, %dma_wait3A_137] : memref<10000x128xf32, #tpu.memory_space<vmem_shared>> -> memref<10000x128xf32, #tpu.memory_space<vmem_shared>>
    tpu.wait_indirect_dma semaphore(%arg15 : memref<!tpu.dma_semaphore, #tpu.memory_space<semaphore_mem>>) src(%arg6 : memref<80x128xf32, #tpu.memory_space<vmem>>) dst(%dma_wait3A_138 : memref<10000x128xf32, #tpu.memory_space<vmem_shared>>)
    %dma_start3A_139 = arith.constant 124 : i32
    %dma_start3A_140 = arith.constant 0 : i32
    %dma_start3A_141 = arith.constant 0 : i32
    %dma_start3A_142 = tpu.memref_slice %arg2[%add3A, %dma_start3A_139, %dma_start3A_140, %dma_start3A_141] : memref<32x125x80x128xf32, #tpu.memory_space<hbm>> -> memref<1x1x80x128xf32, #tpu.memory_space<hbm>>
    %dma_start3A_143 = tpu.memref_squeeze %dma_start3A_142 : memref<1x1x80x128xf32, #tpu.memory_space<hbm>> -> memref<80x128xf32, #tpu.memory_space<hbm>>
    %dma_start3A_144 = arith.constant 0 : i32
    %dma_start3A_145 = arith.constant 0 : i32
    %dma_start3A_146 = tpu.memref_slice %arg2[%add3A, %dma_start3A_139, %dma_start3A_144, %dma_start3A_145] : memref<32x125x80x128xf32, #tpu.memory_space<hbm>> -> memref<1x1x80x128xf32, #tpu.memory_space<hbm>>
    %dma_start3A_147 = tpu.memref_squeeze %dma_start3A_146 : memref<1x1x80x128xf32, #tpu.memory_space<hbm>> -> memref<80x128xf32, #tpu.memory_space<hbm>>
    tpu.enqueue_dma source(%dma_start3A_147 : memref<80x128xf32, #tpu.memory_space<hbm>>) target(%arg6 : memref<80x128xf32, #tpu.memory_space<vmem>>) target_semaphore(%arg19 : memref<!tpu.dma_semaphore, #tpu.memory_space<semaphore_mem>>)
    %mul3A_148 = arith.constant 10000 : i32
    %mul3A_149 = arith.muli %add3A, %mul3A_148 : i32
    %add3A_150 = arith.constant 9920 : i32
    %add3A_151 = arith.addi %mul3A_149, %add3A_150 : i32
    %dma_start3A_152 = tpu.memref_slice %arg3[%add3A_151] : memref<320000xi32, #tpu.memory_space<hbm>> -> memref<80xi32, #tpu.memory_space<hbm>>
    %dma_start3A_153 = tpu.memref_slice %arg3[%add3A_151] : memref<320000xi32, #tpu.memory_space<hbm>> -> memref<80xi32, #tpu.memory_space<hbm>>
    tpu.enqueue_dma source(%dma_start3A_153 : memref<80xi32, #tpu.memory_space<hbm>>) target(%arg10 : memref<80xi32, #tpu.memory_space<vmem>>) target_semaphore(%arg19 : memref<!tpu.dma_semaphore, #tpu.memory_space<semaphore_mem>>)
    %dma_wait3A_154 = arith.constant 121 : i32
    %dma_wait3A_155 = arith.constant 0 : i32
    %dma_wait3A_156 = arith.constant 0 : i32
    %dma_wait3A_157 = tpu.memref_slice %arg2[%add3A, %dma_wait3A_154, %dma_wait3A_155, %dma_wait3A_156] : memref<32x125x80x128xf32, #tpu.memory_space<hbm>> -> memref<1x1x80x128xf32, #tpu.memory_space<hbm>>
    %dma_wait3A_158 = tpu.memref_squeeze %dma_wait3A_157 : memref<1x1x80x128xf32, #tpu.memory_space<hbm>> -> memref<80x128xf32, #tpu.memory_space<hbm>>
    %dma_wait3A_159 = arith.constant 0 : i32
    %dma_wait3A_160 = arith.constant 0 : i32
    %dma_wait3A_161 = tpu.memref_slice %arg2[%add3A, %dma_wait3A_154, %dma_wait3A_159, %dma_wait3A_160] : memref<32x125x80x128xf32, #tpu.memory_space<hbm>> -> memref<1x1x80x128xf32, #tpu.memory_space<hbm>>
    %dma_wait3A_162 = tpu.memref_squeeze %dma_wait3A_161 : memref<1x1x80x128xf32, #tpu.memory_space<hbm>> -> memref<80x128xf32, #tpu.memory_space<hbm>>
    tpu.wait_dma2 semaphore(%arg20 : memref<!tpu.dma_semaphore, #tpu.memory_space<semaphore_mem>>) src(%dma_wait3A_162 : memref<80x128xf32, #tpu.memory_space<hbm>>) dst(%arg7 : memref<80x128xf32, #tpu.memory_space<vmem>>)
    %dma_wait3A_163 = arith.constant 0 : i32
    %dma_wait3A_164 = tpu.memref_slice %arg3[%dma_wait3A_163] : memref<320000xi32, #tpu.memory_space<hbm>> -> memref<80xi32, #tpu.memory_space<hbm>>
    %dma_wait3A_165 = arith.constant 0 : i32
    %dma_wait3A_166 = tpu.memref_slice %arg3[%dma_wait3A_165] : memref<320000xi32, #tpu.memory_space<hbm>> -> memref<80xi32, #tpu.memory_space<hbm>>
    tpu.wait_dma2 semaphore(%arg20 : memref<!tpu.dma_semaphore, #tpu.memory_space<semaphore_mem>>) src(%dma_wait3A_166 : memref<80xi32, #tpu.memory_space<hbm>>) dst(%arg11 : memref<80xi32, #tpu.memory_space<vmem>>)
    %dma_start3A_167 = arith.constant 0 : i32
    %dma_start3A_168 = arith.constant 0 : i32
    %dma_start3A_169 = tpu.memref_slice %arg14[%dma_start3A_167, %dma_start3A_168] : memref<10000x128xf32, #tpu.memory_space<vmem_shared>> -> memref<10000x128xf32, #tpu.memory_space<vmem_shared>>
    tpu.enqueue_indirect_dma source(%arg7 : memref<80x128xf32, #tpu.memory_space<vmem>>) target(%dma_start3A_169 : memref<10000x128xf32, #tpu.memory_space<vmem_shared>>) offsets(%arg11 : memref<80xi32, #tpu.memory_space<vmem>>) semaphore(%arg16 : memref<!tpu.dma_semaphore, #tpu.memory_space<semaphore_mem>>) {add = true}
    %dma_wait3A_170 = arith.constant 0 : i32
    %dma_wait3A_171 = arith.constant 0 : i32
    %dma_wait3A_172 = tpu.memref_slice %arg14[%dma_wait3A_170, %dma_wait3A_171] : memref<10000x128xf32, #tpu.memory_space<vmem_shared>> -> memref<10000x128xf32, #tpu.memory_space<vmem_shared>>
    tpu.wait_indirect_dma semaphore(%arg16 : memref<!tpu.dma_semaphore, #tpu.memory_space<semaphore_mem>>) src(%arg7 : memref<80x128xf32, #tpu.memory_space<vmem>>) dst(%dma_wait3A_172 : memref<10000x128xf32, #tpu.memory_space<vmem_shared>>)
    %dma_wait3A_173 = arith.constant 122 : i32
    %dma_wait3A_174 = arith.constant 0 : i32
    %dma_wait3A_175 = arith.constant 0 : i32
    %dma_wait3A_176 = tpu.memref_slice %arg2[%add3A, %dma_wait3A_173, %dma_wait3A_174, %dma_wait3A_175] : memref<32x125x80x128xf32, #tpu.memory_space<hbm>> -> memref<1x1x80x128xf32, #tpu.memory_space<hbm>>
    %dma_wait3A_177 = tpu.memref_squeeze %dma_wait3A_176 : memref<1x1x80x128xf32, #tpu.memory_space<hbm>> -> memref<80x128xf32, #tpu.memory_space<hbm>>
    %dma_wait3A_178 = arith.constant 0 : i32
    %dma_wait3A_179 = arith.constant 0 : i32
    %dma_wait3A_180 = tpu.memref_slice %arg2[%add3A, %dma_wait3A_173, %dma_wait3A_178, %dma_wait3A_179] : memref<32x125x80x128xf32, #tpu.memory_space<hbm>> -> memref<1x1x80x128xf32, #tpu.memory_space<hbm>>
    %dma_wait3A_181 = tpu.memref_squeeze %dma_wait3A_180 : memref<1x1x80x128xf32, #tpu.memory_space<hbm>> -> memref<80x128xf32, #tpu.memory_space<hbm>>
    tpu.wait_dma2 semaphore(%arg21 : memref<!tpu.dma_semaphore, #tpu.memory_space<semaphore_mem>>) src(%dma_wait3A_181 : memref<80x128xf32, #tpu.memory_space<hbm>>) dst(%arg8 : memref<80x128xf32, #tpu.memory_space<vmem>>)
    %dma_wait3A_182 = arith.constant 0 : i32
    %dma_wait3A_183 = tpu.memref_slice %arg3[%dma_wait3A_182] : memref<320000xi32, #tpu.memory_space<hbm>> -> memref<80xi32, #tpu.memory_space<hbm>>
    %dma_wait3A_184 = arith.constant 0 : i32
    %dma_wait3A_185 = tpu.memref_slice %arg3[%dma_wait3A_184] : memref<320000xi32, #tpu.memory_space<hbm>> -> memref<80xi32, #tpu.memory_space<hbm>>
    tpu.wait_dma2 semaphore(%arg21 : memref<!tpu.dma_semaphore, #tpu.memory_space<semaphore_mem>>) src(%dma_wait3A_185 : memref<80xi32, #tpu.memory_space<hbm>>) dst(%arg12 : memref<80xi32, #tpu.memory_space<vmem>>)
    %dma_start3A_186 = arith.constant 0 : i32
    %dma_start3A_187 = arith.constant 0 : i32
    %dma_start3A_188 = tpu.memref_slice %arg14[%dma_start3A_186, %dma_start3A_187] : memref<10000x128xf32, #tpu.memory_space<vmem_shared>> -> memref<10000x128xf32, #tpu.memory_space<vmem_shared>>
    tpu.enqueue_indirect_dma source(%arg8 : memref<80x128xf32, #tpu.memory_space<vmem>>) target(%dma_start3A_188 : memref<10000x128xf32, #tpu.memory_space<vmem_shared>>) offsets(%arg12 : memref<80xi32, #tpu.memory_space<vmem>>) semaphore(%arg17 : memref<!tpu.dma_semaphore, #tpu.memory_space<semaphore_mem>>) {add = true}
    %dma_wait3A_189 = arith.constant 0 : i32
    %dma_wait3A_190 = arith.constant 0 : i32
    %dma_wait3A_191 = tpu.memref_slice %arg14[%dma_wait3A_189, %dma_wait3A_190] : memref<10000x128xf32, #tpu.memory_space<vmem_shared>> -> memref<10000x128xf32, #tpu.memory_space<vmem_shared>>
    tpu.wait_indirect_dma semaphore(%arg17 : memref<!tpu.dma_semaphore, #tpu.memory_space<semaphore_mem>>) src(%arg8 : memref<80x128xf32, #tpu.memory_space<vmem>>) dst(%dma_wait3A_191 : memref<10000x128xf32, #tpu.memory_space<vmem_shared>>)
    %dma_wait3A_192 = arith.constant 123 : i32
    %dma_wait3A_193 = arith.constant 0 : i32
    %dma_wait3A_194 = arith.constant 0 : i32
    %dma_wait3A_195 = tpu.memref_slice %arg2[%add3A, %dma_wait3A_192, %dma_wait3A_193, %dma_wait3A_194] : memref<32x125x80x128xf32, #tpu.memory_space<hbm>> -> memref<1x1x80x128xf32, #tpu.memory_space<hbm>>
    %dma_wait3A_196 = tpu.memref_squeeze %dma_wait3A_195 : memref<1x1x80x128xf32, #tpu.memory_space<hbm>> -> memref<80x128xf32, #tpu.memory_space<hbm>>
    %dma_wait3A_197 = arith.constant 0 : i32
    %dma_wait3A_198 = arith.constant 0 : i32
    %dma_wait3A_199 = tpu.memref_slice %arg2[%add3A, %dma_wait3A_192, %dma_wait3A_197, %dma_wait3A_198] : memref<32x125x80x128xf32, #tpu.memory_space<hbm>> -> memref<1x1x80x128xf32, #tpu.memory_space<hbm>>
    %dma_wait3A_200 = tpu.memref_squeeze %dma_wait3A_199 : memref<1x1x80x128xf32, #tpu.memory_space<hbm>> -> memref<80x128xf32, #tpu.memory_space<hbm>>
    tpu.wait_dma2 semaphore(%arg22 : memref<!tpu.dma_semaphore, #tpu.memory_space<semaphore_mem>>) src(%dma_wait3A_200 : memref<80x128xf32, #tpu.memory_space<hbm>>) dst(%arg9 : memref<80x128xf32, #tpu.memory_space<vmem>>)
    %dma_wait3A_201 = arith.constant 0 : i32
    %dma_wait3A_202 = tpu.memref_slice %arg3[%dma_wait3A_201] : memref<320000xi32, #tpu.memory_space<hbm>> -> memref<80xi32, #tpu.memory_space<hbm>>
    %dma_wait3A_203 = arith.constant 0 : i32
    %dma_wait3A_204 = tpu.memref_slice %arg3[%dma_wait3A_203] : memref<320000xi32, #tpu.memory_space<hbm>> -> memref<80xi32, #tpu.memory_space<hbm>>
    tpu.wait_dma2 semaphore(%arg22 : memref<!tpu.dma_semaphore, #tpu.memory_space<semaphore_mem>>) src(%dma_wait3A_204 : memref<80xi32, #tpu.memory_space<hbm>>) dst(%arg13 : memref<80xi32, #tpu.memory_space<vmem>>)
    %dma_start3A_205 = arith.constant 0 : i32
    %dma_start3A_206 = arith.constant 0 : i32
    %dma_start3A_207 = tpu.memref_slice %arg14[%dma_start3A_205, %dma_start3A_206] : memref<10000x128xf32, #tpu.memory_space<vmem_shared>> -> memref<10000x128xf32, #tpu.memory_space<vmem_shared>>
    tpu.enqueue_indirect_dma source(%arg9 : memref<80x128xf32, #tpu.memory_space<vmem>>) target(%dma_start3A_207 : memref<10000x128xf32, #tpu.memory_space<vmem_shared>>) offsets(%arg13 : memref<80xi32, #tpu.memory_space<vmem>>) semaphore(%arg18 : memref<!tpu.dma_semaphore, #tpu.memory_space<semaphore_mem>>) {add = true}
    %dma_wait3A_208 = arith.constant 0 : i32
    %dma_wait3A_209 = arith.constant 0 : i32
    %dma_wait3A_210 = tpu.memref_slice %arg14[%dma_wait3A_208, %dma_wait3A_209] : memref<10000x128xf32, #tpu.memory_space<vmem_shared>> -> memref<10000x128xf32, #tpu.memory_space<vmem_shared>>
    tpu.wait_indirect_dma semaphore(%arg18 : memref<!tpu.dma_semaphore, #tpu.memory_space<semaphore_mem>>) src(%arg9 : memref<80x128xf32, #tpu.memory_space<vmem>>) dst(%dma_wait3A_210 : memref<10000x128xf32, #tpu.memory_space<vmem_shared>>)
    %dma_wait3A_211 = arith.constant 124 : i32
    %dma_wait3A_212 = arith.constant 0 : i32
    %dma_wait3A_213 = arith.constant 0 : i32
    %dma_wait3A_214 = tpu.memref_slice %arg2[%add3A, %dma_wait3A_211, %dma_wait3A_212, %dma_wait3A_213] : memref<32x125x80x128xf32, #tpu.memory_space<hbm>> -> memref<1x1x80x128xf32, #tpu.memory_space<hbm>>
    %dma_wait3A_215 = tpu.memref_squeeze %dma_wait3A_214 : memref<1x1x80x128xf32, #tpu.memory_space<hbm>> -> memref<80x128xf32, #tpu.memory_space<hbm>>
    %dma_wait3A_216 = arith.constant 0 : i32
    %dma_wait3A_217 = arith.constant 0 : i32
    %dma_wait3A_218 = tpu.memref_slice %arg2[%add3A, %dma_wait3A_211, %dma_wait3A_216, %dma_wait3A_217] : memref<32x125x80x128xf32, #tpu.memory_space<hbm>> -> memref<1x1x80x128xf32, #tpu.memory_space<hbm>>
    %dma_wait3A_219 = tpu.memref_squeeze %dma_wait3A_218 : memref<1x1x80x128xf32, #tpu.memory_space<hbm>> -> memref<80x128xf32, #tpu.memory_space<hbm>>
    tpu.wait_dma2 semaphore(%arg19 : memref<!tpu.dma_semaphore, #tpu.memory_space<semaphore_mem>>) src(%dma_wait3A_219 : memref<80x128xf32, #tpu.memory_space<hbm>>) dst(%arg6 : memref<80x128xf32, #tpu.memory_space<vmem>>)
    %dma_wait3A_220 = arith.constant 0 : i32
    %dma_wait3A_221 = tpu.memref_slice %arg3[%dma_wait3A_220] : memref<320000xi32, #tpu.memory_space<hbm>> -> memref<80xi32, #tpu.memory_space<hbm>>
    %dma_wait3A_222 = arith.constant 0 : i32
    %dma_wait3A_223 = tpu.memref_slice %arg3[%dma_wait3A_222] : memref<320000xi32, #tpu.memory_space<hbm>> -> memref<80xi32, #tpu.memory_space<hbm>>
    tpu.wait_dma2 semaphore(%arg19 : memref<!tpu.dma_semaphore, #tpu.memory_space<semaphore_mem>>) src(%dma_wait3A_223 : memref<80xi32, #tpu.memory_space<hbm>>) dst(%arg10 : memref<80xi32, #tpu.memory_space<vmem>>)
    %dma_start3A_224 = arith.constant 0 : i32
    %dma_start3A_225 = arith.constant 0 : i32
    %dma_start3A_226 = tpu.memref_slice %arg14[%dma_start3A_224, %dma_start3A_225] : memref<10000x128xf32, #tpu.memory_space<vmem_shared>> -> memref<10000x128xf32, #tpu.memory_space<vmem_shared>>
    tpu.enqueue_indirect_dma source(%arg6 : memref<80x128xf32, #tpu.memory_space<vmem>>) target(%dma_start3A_226 : memref<10000x128xf32, #tpu.memory_space<vmem_shared>>) offsets(%arg10 : memref<80xi32, #tpu.memory_space<vmem>>) semaphore(%arg15 : memref<!tpu.dma_semaphore, #tpu.memory_space<semaphore_mem>>) {add = true}
    %dma_wait3A_227 = arith.constant 0 : i32
    %dma_wait3A_228 = arith.constant 0 : i32
    %dma_wait3A_229 = tpu.memref_slice %arg14[%dma_wait3A_227, %dma_wait3A_228] : memref<10000x128xf32, #tpu.memory_space<vmem_shared>> -> memref<10000x128xf32, #tpu.memory_space<vmem_shared>>
    tpu.wait_indirect_dma semaphore(%arg15 : memref<!tpu.dma_semaphore, #tpu.memory_space<semaphore_mem>>) src(%arg6 : memref<80x128xf32, #tpu.memory_space<vmem>>) dst(%dma_wait3A_229 : memref<10000x128xf32, #tpu.memory_space<vmem_shared>>)
    %barrier3A_230 = arith.constant 0 : index
    tpu.barrier barrier_id(%barrier3A_230)
    %add3A_231 = arith.constant 0 : i32
    %add3A_232 = arith.addi %add3A_231, %arg1 : i32
    %mul3A_233 = arith.constant 80 : i32
    %mul3A_234 = arith.muli %add3A_232, %mul3A_233 : i32
    "tpu.region"() ({
      %run_scoped3A = tpu.sem_alloc : memref<!tpu.dma_semaphore, #tpu.memory_space<semaphore_mem>>
      %dma_start3A_390 = arith.constant 0 : i32
      %dma_start3A_391 = tpu.memref_slice %arg14[%mul3A_234, %dma_start3A_390] : memref<10000x128xf32, #tpu.memory_space<vmem_shared>> -> memref<80x128xf32, #tpu.memory_space<vmem_shared>>
      %dma_start3A_392 = arith.constant 0 : i32
      %dma_start3A_393 = tpu.memref_slice %arg14[%mul3A_234, %dma_start3A_392] : memref<10000x128xf32, #tpu.memory_space<vmem_shared>> -> memref<80x128xf32, #tpu.memory_space<vmem_shared>>
      tpu.enqueue_dma source(%dma_start3A_393 : memref<80x128xf32, #tpu.memory_space<vmem_shared>>) target(%arg6 : memref<80x128xf32, #tpu.memory_space<vmem>>) target_semaphore(%run_scoped3A : memref<!tpu.dma_semaphore, #tpu.memory_space<semaphore_mem>>)
      %dma_wait3A_394 = arith.constant 0 : i32
      %dma_wait3A_395 = tpu.memref_slice %arg14[%mul3A_234, %dma_wait3A_394] : memref<10000x128xf32, #tpu.memory_space<vmem_shared>> -> memref<80x128xf32, #tpu.memory_space<vmem_shared>>
      %dma_wait3A_396 = arith.constant 0 : i32
      %dma_wait3A_397 = tpu.memref_slice %arg14[%mul3A_234, %dma_wait3A_396] : memref<10000x128xf32, #tpu.memory_space<vmem_shared>> -> memref<80x128xf32, #tpu.memory_space<vmem_shared>>
      tpu.wait_dma2 semaphore(%run_scoped3A : memref<!tpu.dma_semaphore, #tpu.memory_space<semaphore_mem>>) src(%dma_wait3A_397 : memref<80x128xf32, #tpu.memory_space<vmem_shared>>) dst(%arg6 : memref<80x128xf32, #tpu.memory_space<vmem>>)
      tpu.yield
    }) : () -> ()
    %dma_start3A_235 = arith.constant 0 : i32
    %dma_start3A_236 = arith.constant 0 : i32
    %dma_start3A_237 = tpu.memref_slice %arg5[%arg0, %add3A_232, %dma_start3A_235, %dma_start3A_236] : memref<2x125x80x128xf32, #tpu.memory_space<hbm>> -> memref<1x1x80x128xf32, #tpu.memory_space<hbm>>
    %dma_start3A_238 = tpu.memref_squeeze %dma_start3A_237 : memref<1x1x80x128xf32, #tpu.memory_space<hbm>> -> memref<80x128xf32, #tpu.memory_space<hbm>>
    %dma_start3A_239 = arith.constant 0 : i32
    %dma_start3A_240 = arith.constant 0 : i32
    %dma_start3A_241 = tpu.memref_slice %arg5[%arg0, %add3A_232, %dma_start3A_239, %dma_start3A_240] : memref<2x125x80x128xf32, #tpu.memory_space<hbm>> -> memref<1x1x80x128xf32, #tpu.memory_space<hbm>>
    %dma_start3A_242 = tpu.memref_squeeze %dma_start3A_241 : memref<1x1x80x128xf32, #tpu.memory_space<hbm>> -> memref<80x128xf32, #tpu.memory_space<hbm>>
    tpu.enqueue_dma source(%arg6 : memref<80x128xf32, #tpu.memory_space<vmem>>) target(%dma_start3A_242 : memref<80x128xf32, #tpu.memory_space<hbm>>) target_semaphore(%arg19 : memref<!tpu.dma_semaphore, #tpu.memory_space<semaphore_mem>>)
    %add3A_243 = arith.constant 16 : i32
    %add3A_244 = arith.addi %add3A_243, %arg1 : i32
    %mul3A_245 = arith.constant 80 : i32
    %mul3A_246 = arith.muli %add3A_244, %mul3A_245 : i32
    "tpu.region"() ({
      %run_scoped3A = tpu.sem_alloc : memref<!tpu.dma_semaphore, #tpu.memory_space<semaphore_mem>>
      %dma_start3A_390 = arith.constant 0 : i32
      %dma_start3A_391 = tpu.memref_slice %arg14[%mul3A_246, %dma_start3A_390] : memref<10000x128xf32, #tpu.memory_space<vmem_shared>> -> memref<80x128xf32, #tpu.memory_space<vmem_shared>>
      %dma_start3A_392 = arith.constant 0 : i32
      %dma_start3A_393 = tpu.memref_slice %arg14[%mul3A_246, %dma_start3A_392] : memref<10000x128xf32, #tpu.memory_space<vmem_shared>> -> memref<80x128xf32, #tpu.memory_space<vmem_shared>>
      tpu.enqueue_dma source(%dma_start3A_393 : memref<80x128xf32, #tpu.memory_space<vmem_shared>>) target(%arg7 : memref<80x128xf32, #tpu.memory_space<vmem>>) target_semaphore(%run_scoped3A : memref<!tpu.dma_semaphore, #tpu.memory_space<semaphore_mem>>)
      %dma_wait3A_394 = arith.constant 0 : i32
      %dma_wait3A_395 = tpu.memref_slice %arg14[%mul3A_246, %dma_wait3A_394] : memref<10000x128xf32, #tpu.memory_space<vmem_shared>> -> memref<80x128xf32, #tpu.memory_space<vmem_shared>>
      %dma_wait3A_396 = arith.constant 0 : i32
      %dma_wait3A_397 = tpu.memref_slice %arg14[%mul3A_246, %dma_wait3A_396] : memref<10000x128xf32, #tpu.memory_space<vmem_shared>> -> memref<80x128xf32, #tpu.memory_space<vmem_shared>>
      tpu.wait_dma2 semaphore(%run_scoped3A : memref<!tpu.dma_semaphore, #tpu.memory_space<semaphore_mem>>) src(%dma_wait3A_397 : memref<80x128xf32, #tpu.memory_space<vmem_shared>>) dst(%arg7 : memref<80x128xf32, #tpu.memory_space<vmem>>)
      tpu.yield
    }) : () -> ()
    %dma_start3A_247 = arith.constant 0 : i32
    %dma_start3A_248 = arith.constant 0 : i32
    %dma_start3A_249 = tpu.memref_slice %arg5[%arg0, %add3A_244, %dma_start3A_247, %dma_start3A_248] : memref<2x125x80x128xf32, #tpu.memory_space<hbm>> -> memref<1x1x80x128xf32, #tpu.memory_space<hbm>>
    %dma_start3A_250 = tpu.memref_squeeze %dma_start3A_249 : memref<1x1x80x128xf32, #tpu.memory_space<hbm>> -> memref<80x128xf32, #tpu.memory_space<hbm>>
    %dma_start3A_251 = arith.constant 0 : i32
    %dma_start3A_252 = arith.constant 0 : i32
    %dma_start3A_253 = tpu.memref_slice %arg5[%arg0, %add3A_244, %dma_start3A_251, %dma_start3A_252] : memref<2x125x80x128xf32, #tpu.memory_space<hbm>> -> memref<1x1x80x128xf32, #tpu.memory_space<hbm>>
    %dma_start3A_254 = tpu.memref_squeeze %dma_start3A_253 : memref<1x1x80x128xf32, #tpu.memory_space<hbm>> -> memref<80x128xf32, #tpu.memory_space<hbm>>
    tpu.enqueue_dma source(%arg7 : memref<80x128xf32, #tpu.memory_space<vmem>>) target(%dma_start3A_254 : memref<80x128xf32, #tpu.memory_space<hbm>>) target_semaphore(%arg20 : memref<!tpu.dma_semaphore, #tpu.memory_space<semaphore_mem>>)
    %dma_wait3A_255 = arith.constant 0 : i32
    %dma_wait3A_256 = arith.constant 0 : i32
    %dma_wait3A_257 = arith.constant 0 : i32
    %dma_wait3A_258 = tpu.memref_slice %arg5[%arg0, %dma_wait3A_255, %dma_wait3A_256, %dma_wait3A_257] : memref<2x125x80x128xf32, #tpu.memory_space<hbm>> -> memref<1x1x80x128xf32, #tpu.memory_space<hbm>>
    %dma_wait3A_259 = tpu.memref_squeeze %dma_wait3A_258 : memref<1x1x80x128xf32, #tpu.memory_space<hbm>> -> memref<80x128xf32, #tpu.memory_space<hbm>>
    %dma_wait3A_260 = arith.constant 0 : i32
    %dma_wait3A_261 = arith.constant 0 : i32
    %dma_wait3A_262 = tpu.memref_slice %arg5[%arg0, %dma_wait3A_255, %dma_wait3A_260, %dma_wait3A_261] : memref<2x125x80x128xf32, #tpu.memory_space<hbm>> -> memref<1x1x80x128xf32, #tpu.memory_space<hbm>>
    %dma_wait3A_263 = tpu.memref_squeeze %dma_wait3A_262 : memref<1x1x80x128xf32, #tpu.memory_space<hbm>> -> memref<80x128xf32, #tpu.memory_space<hbm>>
    tpu.wait_dma2 semaphore(%arg19 : memref<!tpu.dma_semaphore, #tpu.memory_space<semaphore_mem>>) src(%arg6 : memref<80x128xf32, #tpu.memory_space<vmem>>) dst(%dma_wait3A_263 : memref<80x128xf32, #tpu.memory_space<hbm>>)
    %add3A_264 = arith.constant 32 : i32
    %add3A_265 = arith.addi %add3A_264, %arg1 : i32
    %mul3A_266 = arith.constant 80 : i32
    %mul3A_267 = arith.muli %add3A_265, %mul3A_266 : i32
    "tpu.region"() ({
      %run_scoped3A = tpu.sem_alloc : memref<!tpu.dma_semaphore, #tpu.memory_space<semaphore_mem>>
      %dma_start3A_390 = arith.constant 0 : i32
      %dma_start3A_391 = tpu.memref_slice %arg14[%mul3A_267, %dma_start3A_390] : memref<10000x128xf32, #tpu.memory_space<vmem_shared>> -> memref<80x128xf32, #tpu.memory_space<vmem_shared>>
      %dma_start3A_392 = arith.constant 0 : i32
      %dma_start3A_393 = tpu.memref_slice %arg14[%mul3A_267, %dma_start3A_392] : memref<10000x128xf32, #tpu.memory_space<vmem_shared>> -> memref<80x128xf32, #tpu.memory_space<vmem_shared>>
      tpu.enqueue_dma source(%dma_start3A_393 : memref<80x128xf32, #tpu.memory_space<vmem_shared>>) target(%arg6 : memref<80x128xf32, #tpu.memory_space<vmem>>) target_semaphore(%run_scoped3A : memref<!tpu.dma_semaphore, #tpu.memory_space<semaphore_mem>>)
      %dma_wait3A_394 = arith.constant 0 : i32
      %dma_wait3A_395 = tpu.memref_slice %arg14[%mul3A_267, %dma_wait3A_394] : memref<10000x128xf32, #tpu.memory_space<vmem_shared>> -> memref<80x128xf32, #tpu.memory_space<vmem_shared>>
      %dma_wait3A_396 = arith.constant 0 : i32
      %dma_wait3A_397 = tpu.memref_slice %arg14[%mul3A_267, %dma_wait3A_396] : memref<10000x128xf32, #tpu.memory_space<vmem_shared>> -> memref<80x128xf32, #tpu.memory_space<vmem_shared>>
      tpu.wait_dma2 semaphore(%run_scoped3A : memref<!tpu.dma_semaphore, #tpu.memory_space<semaphore_mem>>) src(%dma_wait3A_397 : memref<80x128xf32, #tpu.memory_space<vmem_shared>>) dst(%arg6 : memref<80x128xf32, #tpu.memory_space<vmem>>)
      tpu.yield
    }) : () -> ()
    %dma_start3A_268 = arith.constant 0 : i32
    %dma_start3A_269 = arith.constant 0 : i32
    %dma_start3A_270 = tpu.memref_slice %arg5[%arg0, %add3A_265, %dma_start3A_268, %dma_start3A_269] : memref<2x125x80x128xf32, #tpu.memory_space<hbm>> -> memref<1x1x80x128xf32, #tpu.memory_space<hbm>>
    %dma_start3A_271 = tpu.memref_squeeze %dma_start3A_270 : memref<1x1x80x128xf32, #tpu.memory_space<hbm>> -> memref<80x128xf32, #tpu.memory_space<hbm>>
    %dma_start3A_272 = arith.constant 0 : i32
    %dma_start3A_273 = arith.constant 0 : i32
    %dma_start3A_274 = tpu.memref_slice %arg5[%arg0, %add3A_265, %dma_start3A_272, %dma_start3A_273] : memref<2x125x80x128xf32, #tpu.memory_space<hbm>> -> memref<1x1x80x128xf32, #tpu.memory_space<hbm>>
    %dma_start3A_275 = tpu.memref_squeeze %dma_start3A_274 : memref<1x1x80x128xf32, #tpu.memory_space<hbm>> -> memref<80x128xf32, #tpu.memory_space<hbm>>
    tpu.enqueue_dma source(%arg6 : memref<80x128xf32, #tpu.memory_space<vmem>>) target(%dma_start3A_275 : memref<80x128xf32, #tpu.memory_space<hbm>>) target_semaphore(%arg19 : memref<!tpu.dma_semaphore, #tpu.memory_space<semaphore_mem>>)
    %dma_wait3A_276 = arith.constant 0 : i32
    %dma_wait3A_277 = arith.constant 0 : i32
    %dma_wait3A_278 = arith.constant 0 : i32
    %dma_wait3A_279 = tpu.memref_slice %arg5[%arg0, %dma_wait3A_276, %dma_wait3A_277, %dma_wait3A_278] : memref<2x125x80x128xf32, #tpu.memory_space<hbm>> -> memref<1x1x80x128xf32, #tpu.memory_space<hbm>>
    %dma_wait3A_280 = tpu.memref_squeeze %dma_wait3A_279 : memref<1x1x80x128xf32, #tpu.memory_space<hbm>> -> memref<80x128xf32, #tpu.memory_space<hbm>>
    %dma_wait3A_281 = arith.constant 0 : i32
    %dma_wait3A_282 = arith.constant 0 : i32
    %dma_wait3A_283 = tpu.memref_slice %arg5[%arg0, %dma_wait3A_276, %dma_wait3A_281, %dma_wait3A_282] : memref<2x125x80x128xf32, #tpu.memory_space<hbm>> -> memref<1x1x80x128xf32, #tpu.memory_space<hbm>>
    %dma_wait3A_284 = tpu.memref_squeeze %dma_wait3A_283 : memref<1x1x80x128xf32, #tpu.memory_space<hbm>> -> memref<80x128xf32, #tpu.memory_space<hbm>>
    tpu.wait_dma2 semaphore(%arg20 : memref<!tpu.dma_semaphore, #tpu.memory_space<semaphore_mem>>) src(%arg7 : memref<80x128xf32, #tpu.memory_space<vmem>>) dst(%dma_wait3A_284 : memref<80x128xf32, #tpu.memory_space<hbm>>)
    %add3A_285 = arith.constant 48 : i32
    %add3A_286 = arith.addi %add3A_285, %arg1 : i32
    %mul3A_287 = arith.constant 80 : i32
    %mul3A_288 = arith.muli %add3A_286, %mul3A_287 : i32
    "tpu.region"() ({
      %run_scoped3A = tpu.sem_alloc : memref<!tpu.dma_semaphore, #tpu.memory_space<semaphore_mem>>
      %dma_start3A_390 = arith.constant 0 : i32
      %dma_start3A_391 = tpu.memref_slice %arg14[%mul3A_288, %dma_start3A_390] : memref<10000x128xf32, #tpu.memory_space<vmem_shared>> -> memref<80x128xf32, #tpu.memory_space<vmem_shared>>
      %dma_start3A_392 = arith.constant 0 : i32
      %dma_start3A_393 = tpu.memref_slice %arg14[%mul3A_288, %dma_start3A_392] : memref<10000x128xf32, #tpu.memory_space<vmem_shared>> -> memref<80x128xf32, #tpu.memory_space<vmem_shared>>
      tpu.enqueue_dma source(%dma_start3A_393 : memref<80x128xf32, #tpu.memory_space<vmem_shared>>) target(%arg7 : memref<80x128xf32, #tpu.memory_space<vmem>>) target_semaphore(%run_scoped3A : memref<!tpu.dma_semaphore, #tpu.memory_space<semaphore_mem>>)
      %dma_wait3A_394 = arith.constant 0 : i32
      %dma_wait3A_395 = tpu.memref_slice %arg14[%mul3A_288, %dma_wait3A_394] : memref<10000x128xf32, #tpu.memory_space<vmem_shared>> -> memref<80x128xf32, #tpu.memory_space<vmem_shared>>
      %dma_wait3A_396 = arith.constant 0 : i32
      %dma_wait3A_397 = tpu.memref_slice %arg14[%mul3A_288, %dma_wait3A_396] : memref<10000x128xf32, #tpu.memory_space<vmem_shared>> -> memref<80x128xf32, #tpu.memory_space<vmem_shared>>
      tpu.wait_dma2 semaphore(%run_scoped3A : memref<!tpu.dma_semaphore, #tpu.memory_space<semaphore_mem>>) src(%dma_wait3A_397 : memref<80x128xf32, #tpu.memory_space<vmem_shared>>) dst(%arg7 : memref<80x128xf32, #tpu.memory_space<vmem>>)
      tpu.yield
    }) : () -> ()
    %dma_start3A_289 = arith.constant 0 : i32
    %dma_start3A_290 = arith.constant 0 : i32
    %dma_start3A_291 = tpu.memref_slice %arg5[%arg0, %add3A_286, %dma_start3A_289, %dma_start3A_290] : memref<2x125x80x128xf32, #tpu.memory_space<hbm>> -> memref<1x1x80x128xf32, #tpu.memory_space<hbm>>
    %dma_start3A_292 = tpu.memref_squeeze %dma_start3A_291 : memref<1x1x80x128xf32, #tpu.memory_space<hbm>> -> memref<80x128xf32, #tpu.memory_space<hbm>>
    %dma_start3A_293 = arith.constant 0 : i32
    %dma_start3A_294 = arith.constant 0 : i32
    %dma_start3A_295 = tpu.memref_slice %arg5[%arg0, %add3A_286, %dma_start3A_293, %dma_start3A_294] : memref<2x125x80x128xf32, #tpu.memory_space<hbm>> -> memref<1x1x80x128xf32, #tpu.memory_space<hbm>>
    %dma_start3A_296 = tpu.memref_squeeze %dma_start3A_295 : memref<1x1x80x128xf32, #tpu.memory_space<hbm>> -> memref<80x128xf32, #tpu.memory_space<hbm>>
    tpu.enqueue_dma source(%arg7 : memref<80x128xf32, #tpu.memory_space<vmem>>) target(%dma_start3A_296 : memref<80x128xf32, #tpu.memory_space<hbm>>) target_semaphore(%arg20 : memref<!tpu.dma_semaphore, #tpu.memory_space<semaphore_mem>>)
    %dma_wait3A_297 = arith.constant 0 : i32
    %dma_wait3A_298 = arith.constant 0 : i32
    %dma_wait3A_299 = arith.constant 0 : i32
    %dma_wait3A_300 = tpu.memref_slice %arg5[%arg0, %dma_wait3A_297, %dma_wait3A_298, %dma_wait3A_299] : memref<2x125x80x128xf32, #tpu.memory_space<hbm>> -> memref<1x1x80x128xf32, #tpu.memory_space<hbm>>
    %dma_wait3A_301 = tpu.memref_squeeze %dma_wait3A_300 : memref<1x1x80x128xf32, #tpu.memory_space<hbm>> -> memref<80x128xf32, #tpu.memory_space<hbm>>
    %dma_wait3A_302 = arith.constant 0 : i32
    %dma_wait3A_303 = arith.constant 0 : i32
    %dma_wait3A_304 = tpu.memref_slice %arg5[%arg0, %dma_wait3A_297, %dma_wait3A_302, %dma_wait3A_303] : memref<2x125x80x128xf32, #tpu.memory_space<hbm>> -> memref<1x1x80x128xf32, #tpu.memory_space<hbm>>
    %dma_wait3A_305 = tpu.memref_squeeze %dma_wait3A_304 : memref<1x1x80x128xf32, #tpu.memory_space<hbm>> -> memref<80x128xf32, #tpu.memory_space<hbm>>
    tpu.wait_dma2 semaphore(%arg19 : memref<!tpu.dma_semaphore, #tpu.memory_space<semaphore_mem>>) src(%arg6 : memref<80x128xf32, #tpu.memory_space<vmem>>) dst(%dma_wait3A_305 : memref<80x128xf32, #tpu.memory_space<hbm>>)
    %add3A_306 = arith.constant 64 : i32
    %add3A_307 = arith.addi %add3A_306, %arg1 : i32
    %mul3A_308 = arith.constant 80 : i32
    %mul3A_309 = arith.muli %add3A_307, %mul3A_308 : i32
    "tpu.region"() ({
      %run_scoped3A = tpu.sem_alloc : memref<!tpu.dma_semaphore, #tpu.memory_space<semaphore_mem>>
      %dma_start3A_390 = arith.constant 0 : i32
      %dma_start3A_391 = tpu.memref_slice %arg14[%mul3A_309, %dma_start3A_390] : memref<10000x128xf32, #tpu.memory_space<vmem_shared>> -> memref<80x128xf32, #tpu.memory_space<vmem_shared>>
      %dma_start3A_392 = arith.constant 0 : i32
      %dma_start3A_393 = tpu.memref_slice %arg14[%mul3A_309, %dma_start3A_392] : memref<10000x128xf32, #tpu.memory_space<vmem_shared>> -> memref<80x128xf32, #tpu.memory_space<vmem_shared>>
      tpu.enqueue_dma source(%dma_start3A_393 : memref<80x128xf32, #tpu.memory_space<vmem_shared>>) target(%arg6 : memref<80x128xf32, #tpu.memory_space<vmem>>) target_semaphore(%run_scoped3A : memref<!tpu.dma_semaphore, #tpu.memory_space<semaphore_mem>>)
      %dma_wait3A_394 = arith.constant 0 : i32
      %dma_wait3A_395 = tpu.memref_slice %arg14[%mul3A_309, %dma_wait3A_394] : memref<10000x128xf32, #tpu.memory_space<vmem_shared>> -> memref<80x128xf32, #tpu.memory_space<vmem_shared>>
      %dma_wait3A_396 = arith.constant 0 : i32
      %dma_wait3A_397 = tpu.memref_slice %arg14[%mul3A_309, %dma_wait3A_396] : memref<10000x128xf32, #tpu.memory_space<vmem_shared>> -> memref<80x128xf32, #tpu.memory_space<vmem_shared>>
      tpu.wait_dma2 semaphore(%run_scoped3A : memref<!tpu.dma_semaphore, #tpu.memory_space<semaphore_mem>>) src(%dma_wait3A_397 : memref<80x128xf32, #tpu.memory_space<vmem_shared>>) dst(%arg6 : memref<80x128xf32, #tpu.memory_space<vmem>>)
      tpu.yield
    }) : () -> ()
    %dma_start3A_310 = arith.constant 0 : i32
    %dma_start3A_311 = arith.constant 0 : i32
    %dma_start3A_312 = tpu.memref_slice %arg5[%arg0, %add3A_307, %dma_start3A_310, %dma_start3A_311] : memref<2x125x80x128xf32, #tpu.memory_space<hbm>> -> memref<1x1x80x128xf32, #tpu.memory_space<hbm>>
    %dma_start3A_313 = tpu.memref_squeeze %dma_start3A_312 : memref<1x1x80x128xf32, #tpu.memory_space<hbm>> -> memref<80x128xf32, #tpu.memory_space<hbm>>
    %dma_start3A_314 = arith.constant 0 : i32
    %dma_start3A_315 = arith.constant 0 : i32
    %dma_start3A_316 = tpu.memref_slice %arg5[%arg0, %add3A_307, %dma_start3A_314, %dma_start3A_315] : memref<2x125x80x128xf32, #tpu.memory_space<hbm>> -> memref<1x1x80x128xf32, #tpu.memory_space<hbm>>
    %dma_start3A_317 = tpu.memref_squeeze %dma_start3A_316 : memref<1x1x80x128xf32, #tpu.memory_space<hbm>> -> memref<80x128xf32, #tpu.memory_space<hbm>>
    tpu.enqueue_dma source(%arg6 : memref<80x128xf32, #tpu.memory_space<vmem>>) target(%dma_start3A_317 : memref<80x128xf32, #tpu.memory_space<hbm>>) target_semaphore(%arg19 : memref<!tpu.dma_semaphore, #tpu.memory_space<semaphore_mem>>)
    %dma_wait3A_318 = arith.constant 0 : i32
    %dma_wait3A_319 = arith.constant 0 : i32
    %dma_wait3A_320 = arith.constant 0 : i32
    %dma_wait3A_321 = tpu.memref_slice %arg5[%arg0, %dma_wait3A_318, %dma_wait3A_319, %dma_wait3A_320] : memref<2x125x80x128xf32, #tpu.memory_space<hbm>> -> memref<1x1x80x128xf32, #tpu.memory_space<hbm>>
    %dma_wait3A_322 = tpu.memref_squeeze %dma_wait3A_321 : memref<1x1x80x128xf32, #tpu.memory_space<hbm>> -> memref<80x128xf32, #tpu.memory_space<hbm>>
    %dma_wait3A_323 = arith.constant 0 : i32
    %dma_wait3A_324 = arith.constant 0 : i32
    %dma_wait3A_325 = tpu.memref_slice %arg5[%arg0, %dma_wait3A_318, %dma_wait3A_323, %dma_wait3A_324] : memref<2x125x80x128xf32, #tpu.memory_space<hbm>> -> memref<1x1x80x128xf32, #tpu.memory_space<hbm>>
    %dma_wait3A_326 = tpu.memref_squeeze %dma_wait3A_325 : memref<1x1x80x128xf32, #tpu.memory_space<hbm>> -> memref<80x128xf32, #tpu.memory_space<hbm>>
    tpu.wait_dma2 semaphore(%arg20 : memref<!tpu.dma_semaphore, #tpu.memory_space<semaphore_mem>>) src(%arg7 : memref<80x128xf32, #tpu.memory_space<vmem>>) dst(%dma_wait3A_326 : memref<80x128xf32, #tpu.memory_space<hbm>>)
    %add3A_327 = arith.constant 80 : i32
    %add3A_328 = arith.addi %add3A_327, %arg1 : i32
    %mul3A_329 = arith.constant 80 : i32
    %mul3A_330 = arith.muli %add3A_328, %mul3A_329 : i32
    "tpu.region"() ({
      %run_scoped3A = tpu.sem_alloc : memref<!tpu.dma_semaphore, #tpu.memory_space<semaphore_mem>>
      %dma_start3A_390 = arith.constant 0 : i32
      %dma_start3A_391 = tpu.memref_slice %arg14[%mul3A_330, %dma_start3A_390] : memref<10000x128xf32, #tpu.memory_space<vmem_shared>> -> memref<80x128xf32, #tpu.memory_space<vmem_shared>>
      %dma_start3A_392 = arith.constant 0 : i32
      %dma_start3A_393 = tpu.memref_slice %arg14[%mul3A_330, %dma_start3A_392] : memref<10000x128xf32, #tpu.memory_space<vmem_shared>> -> memref<80x128xf32, #tpu.memory_space<vmem_shared>>
      tpu.enqueue_dma source(%dma_start3A_393 : memref<80x128xf32, #tpu.memory_space<vmem_shared>>) target(%arg7 : memref<80x128xf32, #tpu.memory_space<vmem>>) target_semaphore(%run_scoped3A : memref<!tpu.dma_semaphore, #tpu.memory_space<semaphore_mem>>)
      %dma_wait3A_394 = arith.constant 0 : i32
      %dma_wait3A_395 = tpu.memref_slice %arg14[%mul3A_330, %dma_wait3A_394] : memref<10000x128xf32, #tpu.memory_space<vmem_shared>> -> memref<80x128xf32, #tpu.memory_space<vmem_shared>>
      %dma_wait3A_396 = arith.constant 0 : i32
      %dma_wait3A_397 = tpu.memref_slice %arg14[%mul3A_330, %dma_wait3A_396] : memref<10000x128xf32, #tpu.memory_space<vmem_shared>> -> memref<80x128xf32, #tpu.memory_space<vmem_shared>>
      tpu.wait_dma2 semaphore(%run_scoped3A : memref<!tpu.dma_semaphore, #tpu.memory_space<semaphore_mem>>) src(%dma_wait3A_397 : memref<80x128xf32, #tpu.memory_space<vmem_shared>>) dst(%arg7 : memref<80x128xf32, #tpu.memory_space<vmem>>)
      tpu.yield
    }) : () -> ()
    %dma_start3A_331 = arith.constant 0 : i32
    %dma_start3A_332 = arith.constant 0 : i32
    %dma_start3A_333 = tpu.memref_slice %arg5[%arg0, %add3A_328, %dma_start3A_331, %dma_start3A_332] : memref<2x125x80x128xf32, #tpu.memory_space<hbm>> -> memref<1x1x80x128xf32, #tpu.memory_space<hbm>>
    %dma_start3A_334 = tpu.memref_squeeze %dma_start3A_333 : memref<1x1x80x128xf32, #tpu.memory_space<hbm>> -> memref<80x128xf32, #tpu.memory_space<hbm>>
    %dma_start3A_335 = arith.constant 0 : i32
    %dma_start3A_336 = arith.constant 0 : i32
    %dma_start3A_337 = tpu.memref_slice %arg5[%arg0, %add3A_328, %dma_start3A_335, %dma_start3A_336] : memref<2x125x80x128xf32, #tpu.memory_space<hbm>> -> memref<1x1x80x128xf32, #tpu.memory_space<hbm>>
    %dma_start3A_338 = tpu.memref_squeeze %dma_start3A_337 : memref<1x1x80x128xf32, #tpu.memory_space<hbm>> -> memref<80x128xf32, #tpu.memory_space<hbm>>
    tpu.enqueue_dma source(%arg7 : memref<80x128xf32, #tpu.memory_space<vmem>>) target(%dma_start3A_338 : memref<80x128xf32, #tpu.memory_space<hbm>>) target_semaphore(%arg20 : memref<!tpu.dma_semaphore, #tpu.memory_space<semaphore_mem>>)
    %dma_wait3A_339 = arith.constant 0 : i32
    %dma_wait3A_340 = arith.constant 0 : i32
    %dma_wait3A_341 = arith.constant 0 : i32
    %dma_wait3A_342 = tpu.memref_slice %arg5[%arg0, %dma_wait3A_339, %dma_wait3A_340, %dma_wait3A_341] : memref<2x125x80x128xf32, #tpu.memory_space<hbm>> -> memref<1x1x80x128xf32, #tpu.memory_space<hbm>>
    %dma_wait3A_343 = tpu.memref_squeeze %dma_wait3A_342 : memref<1x1x80x128xf32, #tpu.memory_space<hbm>> -> memref<80x128xf32, #tpu.memory_space<hbm>>
    %dma_wait3A_344 = arith.constant 0 : i32
    %dma_wait3A_345 = arith.constant 0 : i32
    %dma_wait3A_346 = tpu.memref_slice %arg5[%arg0, %dma_wait3A_339, %dma_wait3A_344, %dma_wait3A_345] : memref<2x125x80x128xf32, #tpu.memory_space<hbm>> -> memref<1x1x80x128xf32, #tpu.memory_space<hbm>>
    %dma_wait3A_347 = tpu.memref_squeeze %dma_wait3A_346 : memref<1x1x80x128xf32, #tpu.memory_space<hbm>> -> memref<80x128xf32, #tpu.memory_space<hbm>>
    tpu.wait_dma2 semaphore(%arg19 : memref<!tpu.dma_semaphore, #tpu.memory_space<semaphore_mem>>) src(%arg6 : memref<80x128xf32, #tpu.memory_space<vmem>>) dst(%dma_wait3A_347 : memref<80x128xf32, #tpu.memory_space<hbm>>)
    %add3A_348 = arith.constant 96 : i32
    %add3A_349 = arith.addi %add3A_348, %arg1 : i32
    %mul3A_350 = arith.constant 80 : i32
    %mul3A_351 = arith.muli %add3A_349, %mul3A_350 : i32
    "tpu.region"() ({
      %run_scoped3A = tpu.sem_alloc : memref<!tpu.dma_semaphore, #tpu.memory_space<semaphore_mem>>
      %dma_start3A_390 = arith.constant 0 : i32
      %dma_start3A_391 = tpu.memref_slice %arg14[%mul3A_351, %dma_start3A_390] : memref<10000x128xf32, #tpu.memory_space<vmem_shared>> -> memref<80x128xf32, #tpu.memory_space<vmem_shared>>
      %dma_start3A_392 = arith.constant 0 : i32
      %dma_start3A_393 = tpu.memref_slice %arg14[%mul3A_351, %dma_start3A_392] : memref<10000x128xf32, #tpu.memory_space<vmem_shared>> -> memref<80x128xf32, #tpu.memory_space<vmem_shared>>
      tpu.enqueue_dma source(%dma_start3A_393 : memref<80x128xf32, #tpu.memory_space<vmem_shared>>) target(%arg6 : memref<80x128xf32, #tpu.memory_space<vmem>>) target_semaphore(%run_scoped3A : memref<!tpu.dma_semaphore, #tpu.memory_space<semaphore_mem>>)
      %dma_wait3A_394 = arith.constant 0 : i32
      %dma_wait3A_395 = tpu.memref_slice %arg14[%mul3A_351, %dma_wait3A_394] : memref<10000x128xf32, #tpu.memory_space<vmem_shared>> -> memref<80x128xf32, #tpu.memory_space<vmem_shared>>
      %dma_wait3A_396 = arith.constant 0 : i32
      %dma_wait3A_397 = tpu.memref_slice %arg14[%mul3A_351, %dma_wait3A_396] : memref<10000x128xf32, #tpu.memory_space<vmem_shared>> -> memref<80x128xf32, #tpu.memory_space<vmem_shared>>
      tpu.wait_dma2 semaphore(%run_scoped3A : memref<!tpu.dma_semaphore, #tpu.memory_space<semaphore_mem>>) src(%dma_wait3A_397 : memref<80x128xf32, #tpu.memory_space<vmem_shared>>) dst(%arg6 : memref<80x128xf32, #tpu.memory_space<vmem>>)
      tpu.yield
    }) : () -> ()
    %dma_start3A_352 = arith.constant 0 : i32
    %dma_start3A_353 = arith.constant 0 : i32
    %dma_start3A_354 = tpu.memref_slice %arg5[%arg0, %add3A_349, %dma_start3A_352, %dma_start3A_353] : memref<2x125x80x128xf32, #tpu.memory_space<hbm>> -> memref<1x1x80x128xf32, #tpu.memory_space<hbm>>
    %dma_start3A_355 = tpu.memref_squeeze %dma_start3A_354 : memref<1x1x80x128xf32, #tpu.memory_space<hbm>> -> memref<80x128xf32, #tpu.memory_space<hbm>>
    %dma_start3A_356 = arith.constant 0 : i32
    %dma_start3A_357 = arith.constant 0 : i32
    %dma_start3A_358 = tpu.memref_slice %arg5[%arg0, %add3A_349, %dma_start3A_356, %dma_start3A_357] : memref<2x125x80x128xf32, #tpu.memory_space<hbm>> -> memref<1x1x80x128xf32, #tpu.memory_space<hbm>>
    %dma_start3A_359 = tpu.memref_squeeze %dma_start3A_358 : memref<1x1x80x128xf32, #tpu.memory_space<hbm>> -> memref<80x128xf32, #tpu.memory_space<hbm>>
    tpu.enqueue_dma source(%arg6 : memref<80x128xf32, #tpu.memory_space<vmem>>) target(%dma_start3A_359 : memref<80x128xf32, #tpu.memory_space<hbm>>) target_semaphore(%arg19 : memref<!tpu.dma_semaphore, #tpu.memory_space<semaphore_mem>>)
    %dma_wait3A_360 = arith.constant 0 : i32
    %dma_wait3A_361 = arith.constant 0 : i32
    %dma_wait3A_362 = arith.constant 0 : i32
    %dma_wait3A_363 = tpu.memref_slice %arg5[%arg0, %dma_wait3A_360, %dma_wait3A_361, %dma_wait3A_362] : memref<2x125x80x128xf32, #tpu.memory_space<hbm>> -> memref<1x1x80x128xf32, #tpu.memory_space<hbm>>
    %dma_wait3A_364 = tpu.memref_squeeze %dma_wait3A_363 : memref<1x1x80x128xf32, #tpu.memory_space<hbm>> -> memref<80x128xf32, #tpu.memory_space<hbm>>
    %dma_wait3A_365 = arith.constant 0 : i32
    %dma_wait3A_366 = arith.constant 0 : i32
    %dma_wait3A_367 = tpu.memref_slice %arg5[%arg0, %dma_wait3A_360, %dma_wait3A_365, %dma_wait3A_366] : memref<2x125x80x128xf32, #tpu.memory_space<hbm>> -> memref<1x1x80x128xf32, #tpu.memory_space<hbm>>
    %dma_wait3A_368 = tpu.memref_squeeze %dma_wait3A_367 : memref<1x1x80x128xf32, #tpu.memory_space<hbm>> -> memref<80x128xf32, #tpu.memory_space<hbm>>
    tpu.wait_dma2 semaphore(%arg20 : memref<!tpu.dma_semaphore, #tpu.memory_space<semaphore_mem>>) src(%arg7 : memref<80x128xf32, #tpu.memory_space<vmem>>) dst(%dma_wait3A_368 : memref<80x128xf32, #tpu.memory_space<hbm>>)
    %add3A_369 = arith.constant 112 : i32
    %add3A_370 = arith.addi %add3A_369, %arg1 : i32
    %lt3A_371 = arith.constant 125 : i32
    %lt3A_372 = arith.cmpi slt, %add3A_370, %lt3A_371 : i32
    %convert_element_type3A_373 = arith.extui %lt3A_372 : i1 to i32
    %cond3A_374 = arith.constant 0 : i32
    %cond3A_375 = arith.cmpi ne, %convert_element_type3A_373, %cond3A_374 : i32
    scf.if %cond3A_375 {
      %mul3A_390 = arith.constant 80 : i32
      %mul3A_391 = arith.muli %add3A_370, %mul3A_390 : i32
      "tpu.region"() ({
        %run_scoped3A = tpu.sem_alloc : memref<!tpu.dma_semaphore, #tpu.memory_space<semaphore_mem>>
        %dma_start3A_400 = arith.constant 0 : i32
        %dma_start3A_401 = tpu.memref_slice %arg14[%mul3A_391, %dma_start3A_400] : memref<10000x128xf32, #tpu.memory_space<vmem_shared>> -> memref<80x128xf32, #tpu.memory_space<vmem_shared>>
        %dma_start3A_402 = arith.constant 0 : i32
        %dma_start3A_403 = tpu.memref_slice %arg14[%mul3A_391, %dma_start3A_402] : memref<10000x128xf32, #tpu.memory_space<vmem_shared>> -> memref<80x128xf32, #tpu.memory_space<vmem_shared>>
        tpu.enqueue_dma source(%dma_start3A_403 : memref<80x128xf32, #tpu.memory_space<vmem_shared>>) target(%arg7 : memref<80x128xf32, #tpu.memory_space<vmem>>) target_semaphore(%run_scoped3A : memref<!tpu.dma_semaphore, #tpu.memory_space<semaphore_mem>>)
        %dma_wait3A_404 = arith.constant 0 : i32
        %dma_wait3A_405 = tpu.memref_slice %arg14[%mul3A_391, %dma_wait3A_404] : memref<10000x128xf32, #tpu.memory_space<vmem_shared>> -> memref<80x128xf32, #tpu.memory_space<vmem_shared>>
        %dma_wait3A_406 = arith.constant 0 : i32
        %dma_wait3A_407 = tpu.memref_slice %arg14[%mul3A_391, %dma_wait3A_406] : memref<10000x128xf32, #tpu.memory_space<vmem_shared>> -> memref<80x128xf32, #tpu.memory_space<vmem_shared>>
        tpu.wait_dma2 semaphore(%run_scoped3A : memref<!tpu.dma_semaphore, #tpu.memory_space<semaphore_mem>>) src(%dma_wait3A_407 : memref<80x128xf32, #tpu.memory_space<vmem_shared>>) dst(%arg7 : memref<80x128xf32, #tpu.memory_space<vmem>>)
        tpu.yield
      }) : () -> ()
      %dma_start3A_392 = arith.constant 0 : i32
      %dma_start3A_393 = arith.constant 0 : i32
      %dma_start3A_394 = tpu.memref_slice %arg5[%arg0, %add3A_370, %dma_start3A_392, %dma_start3A_393] : memref<2x125x80x128xf32, #tpu.memory_space<hbm>> -> memref<1x1x80x128xf32, #tpu.memory_space<hbm>>
      %dma_start3A_395 = tpu.memref_squeeze %dma_start3A_394 : memref<1x1x80x128xf32, #tpu.memory_space<hbm>> -> memref<80x128xf32, #tpu.memory_space<hbm>>
      %dma_start3A_396 = arith.constant 0 : i32
      %dma_start3A_397 = arith.constant 0 : i32
      %dma_start3A_398 = tpu.memref_slice %arg5[%arg0, %add3A_370, %dma_start3A_396, %dma_start3A_397] : memref<2x125x80x128xf32, #tpu.memory_space<hbm>> -> memref<1x1x80x128xf32, #tpu.memory_space<hbm>>
      %dma_start3A_399 = tpu.memref_squeeze %dma_start3A_398 : memref<1x1x80x128xf32, #tpu.memory_space<hbm>> -> memref<80x128xf32, #tpu.memory_space<hbm>>
      tpu.enqueue_dma source(%arg7 : memref<80x128xf32, #tpu.memory_space<vmem>>) target(%dma_start3A_399 : memref<80x128xf32, #tpu.memory_space<hbm>>) target_semaphore(%arg20 : memref<!tpu.dma_semaphore, #tpu.memory_space<semaphore_mem>>)
    } else {
    }
    %dma_wait3A_376 = arith.constant 0 : i32
    %dma_wait3A_377 = arith.constant 0 : i32
    %dma_wait3A_378 = arith.constant 0 : i32
    %dma_wait3A_379 = tpu.memref_slice %arg5[%arg0, %dma_wait3A_376, %dma_wait3A_377, %dma_wait3A_378] : memref<2x125x80x128xf32, #tpu.memory_space<hbm>> -> memref<1x1x80x128xf32, #tpu.memory_space<hbm>>
    %dma_wait3A_380 = tpu.memref_squeeze %dma_wait3A_379 : memref<1x1x80x128xf32, #tpu.memory_space<hbm>> -> memref<80x128xf32, #tpu.memory_space<hbm>>
    %dma_wait3A_381 = arith.constant 0 : i32
    %dma_wait3A_382 = arith.constant 0 : i32
    %dma_wait3A_383 = tpu.memref_slice %arg5[%arg0, %dma_wait3A_376, %dma_wait3A_381, %dma_wait3A_382] : memref<2x125x80x128xf32, #tpu.memory_space<hbm>> -> memref<1x1x80x128xf32, #tpu.memory_space<hbm>>
    %dma_wait3A_384 = tpu.memref_squeeze %dma_wait3A_383 : memref<1x1x80x128xf32, #tpu.memory_space<hbm>> -> memref<80x128xf32, #tpu.memory_space<hbm>>
    tpu.wait_dma2 semaphore(%arg19 : memref<!tpu.dma_semaphore, #tpu.memory_space<semaphore_mem>>) src(%arg6 : memref<80x128xf32, #tpu.memory_space<vmem>>) dst(%dma_wait3A_384 : memref<80x128xf32, #tpu.memory_space<hbm>>)
    %lt3A_385 = arith.constant 13 : i32
    %lt3A_386 = arith.cmpi slt, %arg1, %lt3A_385 : i32
    %convert_element_type3A_387 = arith.extui %lt3A_386 : i1 to i32
    %cond3A_388 = arith.constant 0 : i32
    %cond3A_389 = arith.cmpi ne, %convert_element_type3A_387, %cond3A_388 : i32
    scf.if %cond3A_389 {
      %dma_wait3A_390 = arith.constant 0 : i32
      %dma_wait3A_391 = arith.constant 0 : i32
      %dma_wait3A_392 = arith.constant 0 : i32
      %dma_wait3A_393 = tpu.memref_slice %arg5[%arg0, %dma_wait3A_390, %dma_wait3A_391, %dma_wait3A_392] : memref<2x125x80x128xf32, #tpu.memory_space<hbm>> -> memref<1x1x80x128xf32, #tpu.memory_space<hbm>>
      %dma_wait3A_394 = tpu.memref_squeeze %dma_wait3A_393 : memref<1x1x80x128xf32, #tpu.memory_space<hbm>> -> memref<80x128xf32, #tpu.memory_space<hbm>>
      %dma_wait3A_395 = arith.constant 0 : i32
      %dma_wait3A_396 = arith.constant 0 : i32
      %dma_wait3A_397 = tpu.memref_slice %arg5[%arg0, %dma_wait3A_390, %dma_wait3A_395, %dma_wait3A_396] : memref<2x125x80x128xf32, #tpu.memory_space<hbm>> -> memref<1x1x80x128xf32, #tpu.memory_space<hbm>>
      %dma_wait3A_398 = tpu.memref_squeeze %dma_wait3A_397 : memref<1x1x80x128xf32, #tpu.memory_space<hbm>> -> memref<80x128xf32, #tpu.memory_space<hbm>>
      tpu.wait_dma2 semaphore(%arg20 : memref<!tpu.dma_semaphore, #tpu.memory_space<semaphore_mem>>) src(%arg7 : memref<80x128xf32, #tpu.memory_space<vmem>>) dst(%dma_wait3A_398 : memref<80x128xf32, #tpu.memory_space<hbm>>)
    } else {
    }
    return
  }
}

module attributes {stable_mosaic.version = 14 : i64} {
  func.func @_combine_body(%arg0: i32, %arg1: memref<2000x128xf32, #tpu.memory_space<vmem>>, %arg2: memref<2000x128xf32, #tpu.memory_space<vmem>>, %arg3: memref<2000x128xf32, #tpu.memory_space<vmem>>) attributes {dimension_semantics = [#tpu.dimension_semantics<arbitrary>], iteration_bounds = array<i64: 5>, scalar_prefetch = 0 : i64, scratch_operands = 0 : i64, tpu.core_type = #tpu.core_type<tc>, window_params = [{transform_indices = @transform_0, window_bounds = array<i64: 2000, 128>}, {transform_indices = @transform_1, window_bounds = array<i64: 2000, 128>}, {transform_indices = @transform_2, window_bounds = array<i64: 2000, 128>}]} {
    %get3A = arith.constant 0 : index
    %get3A_0 = arith.constant 0 : index
    %get3A_1 = vector.load %arg1[%get3A, %get3A_0] : memref<2000x128xf32, #tpu.memory_space<vmem>>, vector<2000x128xf32>
    %get3A_2 = arith.constant 0 : index
    %get3A_3 = arith.constant 0 : index
    %get3A_4 = vector.load %arg2[%get3A_2, %get3A_3] : memref<2000x128xf32, #tpu.memory_space<vmem>>, vector<2000x128xf32>
    %add3A = arith.addf %get3A_1, %get3A_4 : vector<2000x128xf32>
    %swap3A = arith.constant 0 : index
    %swap3A_5 = arith.constant 0 : index
    %swap3A_6 = vector.load %arg3[%swap3A, %swap3A_5] : memref<2000x128xf32, #tpu.memory_space<vmem>>, vector<2000x128xf32>
    tpu.vector_store %arg3[%swap3A, %swap3A_5], %add3A {strides = array<i32>} : memref<2000x128xf32, #tpu.memory_space<vmem>>, vector<2000x128xf32>,
    return
  }
  func.func @transform_0(%arg0: i32) -> (i32, i32) {
    %c0_i32 = arith.constant 0 : i32
    %c0_i32_0 = arith.constant 0 : i32
    return %arg0, %c0_i32 : i32, i32
  }
  func.func @transform_1(%arg0: i32) -> (i32, i32) {
    %c0_i32 = arith.constant 0 : i32
    %c0_i32_0 = arith.constant 0 : i32
    return %arg0, %c0_i32 : i32, i32
  }
  func.func @transform_2(%arg0: i32) -> (i32, i32) {
    %c0_i32 = arith.constant 0 : i32
    %c0_i32_0 = arith.constant 0 : i32
    return %arg0, %c0_i32 : i32, i32
  }
}

</mosaic_0001>

<sc_bundles>
// kernel: kernel.4.cloned.1.call-start
scs
__scs_entry_jumppad:
0x0: {  	(pc) =	sbr.rel $0x88, $3  }
0x1: {  	(tag) =	ssettag $0x0;
	lr =	simm.s32 $0x1  }
0x2: {  	[smem:$0x3F9F] =	sst lr;
	_ =	strace $0xD0000000  }
0x3: {  	_ = 	snop  }
0x4: {  	_ = 	snop  }
0x5: {  	_ = 	snop  }
0x6: {  	_ = 	snop  }
0x7: {  	_ = 	snop  }
__scs_overlays_trampoline_lowered:
0x8: {  	[smem:$0x3FAE] =	sst s0  }
0x9: {  	[smem:$0x3FAF] =	sst s1  }
0xa: {  	[smem:$0x3FB0] =	sst s2  }
0xb: {  	[smem:$0x3FB1] =	sst s3  }
0xc: {  	[smem:$0x3FB2] =	sst s4  }
0xd: {  	[smem:$0x3FB3] =	sst s5  }
0xe: {  	[smem:$0x3FB4] =	sst s6  }
0xf: {  	[smem:$0x3FB5] =	sst s7  }
0x10: {  	[smem:$0x3FB6] =	sst s8  }
0x11: {  	[smem:$0x3FB7] =	sst s9;
	s0 =	simm.s32 @!p0 $0x0  }
0x12: {  	s1 =	sld [smem:$0x3F9D];
	s0 =	simm.s32 @p0 $0x1  }
0x13: {  	[smem:$0x3FB8] =	sst s0;
	s0 =	simm.s32 @!p1 $0x0  }
0x14: {  	s2 =	sld [smem:$0x3F9C];
	s0 =	simm.s32 @p1 $0x1  }
0x15: {  	[smem:$0x3FB9] =	sst s0;
	s0 =	simm.s32 @!p2 $0x0  }
0x16: {  	s3 =	sld [smem:$0x3FDB];
	s0 =	simm.s32 @p2 $0x1  }
0x17: {  	s4 =	simm.s32 $0x1BF5;
	[smem:$0x3FBB] =	sst s0  }
0x18: {  	s0 =	sld [smem:$0x3F9E];
	_ =	swait.ge [sflag:s4], $0x0  }
0x19: {  	s7 =	sld [smem:$0x3F9F]  }
0x1a: {  	s8 =	sadd.s32 $0xFFFFE003, lr  }
0x1b: {  	s9 =	sadd.s32 $0xFFFFFEF7, lr;
	s5 =	simm.s32 $0xFFFFFFFF;
	p2 =	slt.u32 s8, $0xFFFFF086  }
0x1c: {  	p1 =	slt.u32 s9, $0xF7A;
	s5 =	simm.s32 @!p2 $0x0  }
0x1d: {  	s5 =	simm.s32 @p1 $0x1;
	p0 =	seq.s32 s7, s2  }
0x1e: {  	s7 =	smul.u32 @!p0 $0xF7A, s2;
	p2 =	seq.s32 @!p0 s5, $0x0  }
0x1f: {  	s9 =	smul.u32 $0xF7A, s1;
	s8 =	simm.s32 @!p0 $0x1BF5;
	p2 =	por !p2, p0  }
0x20: {  	[sflag:s8] =	ssyncset.s32 @!p0 $0xFFFFF086;
	s6 =	sadd.s32 @!p0 s3, s7;
	s7 =	simm.s32 @!p0 $0x108  }
0x21: {  	s3 =	sadd.s32 s3, s9;
	s6 =	sadd.s32 @!p0 $0x88, s6;
	s7 =	simm.s32 @p2 $0x1082  }
0x22: {  	[simem:s7], [sflag:s8] =	dma.local @!p0 [hbm:s6], $0xF7A  }
0x23: {  	s9 =	sor.u32 $0xD0000000, s2;
	s6 =	simm.s32 $0x108;
	_ =	swait.ge @!p0 [sflag:s8], $0x0  }
0x24: {  	s3 =	sadd.s32 $0x88, s3;
	s6 =	simm.s32 @!p1 $0x1082;
	[sflag:s4] =	ssyncset.s32 $0xFFFFF086  }
0x25: {  	[simem:s6], [sflag:s4] =	dma.local [hbm:s3], $0xF7A  }
0x26: {  	[smem:$0x3F9F] =	sst s1;
	(tag) =	ssettag s2;
	_ =	strace s9  }
0x27: {  	s1 =	sld [smem:$0x3FAF]  }
0x28: {  	s2 =	sld [smem:$0x3FB0]  }
0x29: {  	s4 =	sld [smem:$0x3FB2]  }
0x2a: {  	p0 =	seq.s32 s5, $0x0;
	s5 =	sld [smem:$0x3FB3]  }
0x2b: {  	s6 =	sld [smem:$0x3FB4]  }
0x2c: {  	s7 =	sld [smem:$0x3FB5]  }
0x2d: {  	s3 =	simm.s32 $0x108;
	s8 =	sld [smem:$0x3FB6]  }
0x2e: {  	s3 =	simm.s32 @!p0 $0x1082;
	s9 =	sld [smem:$0x3FB7]  }
0x2f: {  	lr =	sadd.s32 s0, s3;
	s0 =	sld [smem:$0x3FAE]  }
0x30: {  	s3 =	sld [smem:$0x3FB1]  }
0x31: {  	[smem:$0x3FBA] =	sst s10  }
0x32: {  	s10 =	sld [smem:$0x3FB8];
	_ =	sdelay $0x3  }
0x33: {  	p0 =	seq.s32 s10, $0x1;
	s10 =	sld [smem:$0x3FBA];
	_ =	sdelay $0x3  }
0x34: {  	[smem:$0x3FBA] =	sst s10  }
0x35: {  	s10 =	sld [smem:$0x3FB9];
	_ =	sdelay $0x3  }
0x36: {  	p1 =	seq.s32 s10, $0x1;
	s10 =	sld [smem:$0x3FBA];
	_ =	sdelay $0x3  }
0x37: {  	[smem:$0x3FBA] =	sst s10  }
0x38: {  	s10 =	sld [smem:$0x3FBB]  }
0x39: {  	_ = 	snop;
	(pc) =	sbr.ind lr, $3  }
0x3a: {  	_ = 	snop  }
0x3b: {  	_ = 	snop  }
0x3c: {  	p2 =	seq.s32 s10, $0x1;
	s10 =	sld [smem:$0x3FBA]  }
0x3d: {  	_ =	shalt  }
0x3e: {  	_ =	shalt  }
0x3f: {  	_ =	shalt  }
0x40: {  	_ =	shalt  }
0x41: {  	_ =	shalt  }
0x42: {  	_ =	shalt  }
0x43: {  	_ =	shalt  }
0x44: {  	_ =	shalt  }
0x45: {  	_ =	shalt  }
0x46: {  	_ =	shalt  }
0x47: {  	_ =	shalt  }
0x48: {  	_ =	shalt  }
0x49: {  	_ =	shalt  }
0x4a: {  	_ =	shalt  }
0x4b: {  	_ =	shalt  }
0x4c: {  	_ =	shalt  }
0x4d: {  	_ =	shalt  }
0x4e: {  	_ =	shalt  }
0x4f: {  	_ =	shalt  }
0x50: {  	_ =	shalt  }
0x51: {  	_ =	shalt  }
0x52: {  	_ =	shalt  }
0x53: {  	_ =	shalt  }
0x54: {  	_ =	shalt  }
0x55: {  	_ =	shalt  }
0x56: {  	_ =	shalt  }
0x57: {  	_ =	shalt  }
0x58: {  	_ =	shalt  }
0x59: {  	_ =	shalt  }
0x5a: {  	_ =	shalt  }
0x5b: {  	_ =	shalt  }
0x5c: {  	_ =	shalt  }
0x5d: {  	_ =	shalt  }
0x5e: {  	_ =	shalt  }
0x5f: {  	_ =	shalt  }
0x60: {  	_ =	shalt  }
0x61: {  	_ =	shalt  }
0x62: {  	_ =	shalt  }
0x63: {  	_ =	shalt  }
0x64: {  	_ =	shalt  }
0x65: {  	_ =	shalt  }
0x66: {  	_ =	shalt  }
0x67: {  	_ =	shalt  }
0x68: {  	_ =	shalt  }
0x69: {  	_ =	shalt  }
0x6a: {  	_ =	shalt  }
0x6b: {  	_ =	shalt  }
0x6c: {  	_ =	shalt  }
0x6d: {  	_ =	shalt  }
0x6e: {  	_ =	shalt  }
0x6f: {  	_ =	shalt  }
0x70: {  	_ =	shalt  }
0x71: {  	_ =	shalt  }
0x72: {  	_ =	shalt  }
0x73: {  	_ =	shalt  }
0x74: {  	_ =	shalt  }
0x75: {  	_ =	shalt  }
0x76: {  	_ =	shalt  }
0x77: {  	_ =	shalt  }
0x78: {  	_ =	shalt  }
0x79: {  	_ =	shalt  }
0x7a: {  	_ =	shalt  }
0x7b: {  	_ =	shalt  }
0x7c: {  	_ =	shalt  }
0x7d: {  	_ =	shalt  }
0x7e: {  	_ =	shalt  }
0x7f: {  	_ =	shalt  }
0x80: {  	_ =	shalt  }
0x81: {  	_ =	shalt  }
0x82: {  	_ =	shalt  }
0x83: {  	_ =	shalt  }
0x84: {  	_ =	shalt  }
0x85: {  	_ =	shalt  }
0x86: {  	_ =	shalt  }
0x87: {  	_ =	shalt  }
.Lfunc_end0:
.L_simem_size_0:
called_computation_lowered:
.L_overlay_start_0:
0x88: {  	s2 =	sld [smem:$0x3FD9]  }
0x89: {  	s3 =	sld [smem:$0x3FFE];
	_ =	sdelay $0x1  }
0x8a: {  	s1 =	srdreg.scid  }
0x8b: {  	s0 =	sand.u32 $0x1, s1  }
0x8c: {  	s17 =	sshll.u32 s0, $0xA;
	s2 =	sadd.s32 s3, s2  }
0x8d: {  	s2 =	sadd.s32 s2, s17  }
0x8e: {  	[smem:$0x3FC6] =	sst s2  }
0x8f: {  	_ = 	snop  }
0x90: {  	s2 =	sld [smem:$0x3FC9]  }
0x91: {  	s18 =	sld [smem:$0x3FC8]  }
0x92: {  	s4 =	sld [smem:$0x3FD0];
	(tm) =	ssettm $0x1  }
0x93: {  	s5 =	sld [smem:$0x3FFB];
	_ =	sdelay $0x3  }
0x94: {  	_ =	strace s5  }
0x95: {  	s5 =	sld [smem:$0x3FFC];
	_ =	sdelay $0x3  }
0x96: {  	_ =	strace s5  }
0x97: {  	s5 =	sld [smem:$0x3FFD];
	_ =	sdelay $0x3  }
0x98: {  	_ =	strace s5  }
0x99: {  	_ =	strace $0x8FFFFFFF  }
0x9a: {  	s19 =	sld [smem:$0x3FDB];
	_ =	sdelay $0x1  }
0x9b: {  	s6 =	simm.s32 $_scs_section_size  }
0x9c: {  	s7 =	simm.s32 $_size__tile_overlayer_lowered;
	s8 =	simm.s32 $_tile_overlayer_lowered  }
0x9d: {  	s22 =	simm.s32 $0x1BFF;
	s21 =	sshll.u32 s8, $0x1;
	s5 =	sadd.s32 s6, s19  }
0x9e: {  	s9 =	simm.s32 $0x0;
	s20 =	sshll.u32 s7, $0x1;
	s7 =	sadd.s32 s21, s5  }
0x9f: {  	[timem:s9], [sflag:s22] =	dma.local [hbm:s7], s20  }
0xa0: {  	_ =	swait.ge [sflag:s22], s20  }
0xa1: {  	s6 =	ssub.s32 $0x0, s20;
	[sflag:s22] =	ssyncset.done $0x0  }
0xa2: {  	[sflag:s22] =	ssyncadd.s32 s6;
	_ =	sdelay $0x1  }
0xa3: {  	s23 =	simm.s32 $0x1B8B  }
0xa4: {  	_ =	swait.ge [sflag:s23], $0x1  }
0xa5: {  	[sflag:s23] =	ssyncset.done $0x0  }
0xa6: {  	s25 =	simm.s32 $0x1B8E;
	s24 =	sld [smem:$0x3FFE];
	[sflag:s23] =	ssyncadd.s32 $0xFFFFFFFF  }
0xa7: {  	s26 =	simm.s32 $execute0_lowered;
	[smem:$0x3FD2] =	sst s25  }
0xa8: {  	s7 =	sshll.u32 s26, $0x1;
	_ =	strace $0x80000046;
	[dreg:$0x1] =	wrdreg $0xFFFFFFFF  }
0xa9: {  	s28 =	simm.s32 $_size_execute0_lowered;
	s5 =	sadd.s32 s5, s7;
	[dreg:$0x0] =	wrdreg $0x0  }
0xaa: {  	s7 =	sshll.u32 s28, $0x1;
	[dreg:$0x2] =	wrdreg s5  }
0xab: {  	[dreg:$0x3] =	wrdreg s7  }
0xac: {  	[dreg:$0x4] =	wrdreg $0xC0  }
0xad: {  	_ =	task [dreg:s9], $0x5FFFF  }
0xae: {  	[dreg:$0x1] =	wrdreg $0xFFFFFFFF  }
0xaf: {  	[dreg:$0x0] =	wrdreg $0x60  }
0xb0: {  	[dreg:$0x2] =	wrdreg s2  }
0xb1: {  	[dreg:$0x3] =	wrdreg s18  }
0xb2: {  	[dreg:$0x4] =	wrdreg s4  }
0xb3: {  	[dreg:$0x5] =	wrdreg s24  }
0xb4: {  	[dreg:$0x6] =	wrdreg $0xA2000  }
0xb5: {  	[dreg:$0x7] =	wrdreg $0x9  }
0xb6: {  	_ =	task.clear_ibuf [dreg:s9], $0x8FFFF;
	_ =	strace $0x90000046  }
0xb7: {  	s29 =	simm.s32 $0x9;
	_ =	strace $0x80000048  }
0xb8: {  	_ =	swait.ge [sflag:s29], $0x1  }
0xb9: {  	[sflag:s29] =	ssyncadd.s32 $0xFFFFFFFF  }
0xba: {  	_ =	strace $0x90000048  }
0xbb: {  	_ =	sfence  }
0xbc: {  	s30 =	sld [smem:$0x0];
	_ =	sdelay $0x2  }
0xbd: {  	s31 =	sshll.u32 s1, $0xD;
	s1 =	sshrl.u32 s1, $0x2  }
0xbe: {  	s3 =	sand.u32 $0x4000, s31;
	s1 =	sadd.s32 s1, s30  }
0xbf: {  	s0 =	sor.u32 s3, s0;
	s1 =	sshll.u32 s1, $0x11  }
0xc0: {  	s0 =	sor.u32 s1, s0  }
0xc1: {  	s0 =	sadd.s32 $0x8F2B, s0  }
0xc2: {  	[sflag:s0] =	ssyncadd.remote.s32 $0x1  }
0xc3: {  	_ =	sfence.sel $0xFFFF  }
0xc4: {  	[dreg:$0x0] =	wrdreg $0xFFFFFFFF;
	(pc) =	sbr.abs _section_cstart, $3  }
0xc5: {  	[dreg:$0x1] =	wrdreg $0xFFFFFFFF  }
0xc6: {  	_ =	task.clear_ibuf [dreg:s9], $0x2FFFF;
	_ =	strace $0x9FFFFFFF  }
0xc7: {  	(tm) =	ssettm $0x7FFFFFFF  }
tec
execute0_lowered:
.L_overlay_start_1:
0x0: {  	(tag) =	ssettag $0x1  }
0x1: {  	s2 =	srdreg.scid;
	s26 =	stileid.u32  }
0x2: {  	s12 =	sand.u32 $0x1, s2;
	s16 =	smul.u32 $0x2800, s26  }
0x3: {  	s15 =	sor.u32 $0x10, s26;
	s9 =	smul.u32 $0x138800, s12  }
0x4: {  	s18 =	sor.u32 $0x20, s26;
	s19 =	smul.u32 $0x2800, s15  }
0x5: {  	s10 =	sor.u32 $0x30, s26;
	s20 =	smul.u32 $0x2800, s18  }
0x6: {  	s11 =	sor.u32 $0x40, s26;
	s21 =	smul.u32 $0x2800, s10  }
0x7: {  	s0 =	rddreg [dreg:$0x0];
	s4 =	sor.u32 $0x50, s26;
	s22 =	smul.u32 $0x2800, s11  }
0x8: {  	s1 =	rddreg [dreg:$0x1];
	s7 =	sor.u32 $0x60, s26;
	s23 =	smul.u32 $0x2800, s4  }
0x9: {  	s13 =	rddreg [dreg:$0x3];
	s25 =	smul.u32 $0x2800, s7  }
0xa: {  	s5 =	rddreg [dreg:$0x4];
	s6 =	simm.s32 $0x0;
	s10 =	smul.u32 $0xA000, s10  }
0xb: {  	s31 =	simm.s32 $0x9;
	[smem:$0x7FF] =	sst s6;
	s11 =	smul.u32 $0xA000, s11  }
0xc: {  	s8 =	sor.u32 $0x70, s26;
	s2 =	sshll.u32 s12, $0x4;
	s4 =	smul.u32 $0xA000, s4  }
0xd: {  	s13 =	sadd.s32 $0x600, s13;
	s7 =	smul.u32 $0xA000, s7;
	s2 =	sor.u32 s26, s2  }
0xe: {  	p0 =	sgt.u32 s26, $0xC;
	s14 =	ssub.s32 $0x2, s12;
	s3 =	smul.u32 $0x138800, s2  }
0xf: {  	_ =	strace $0x80000047;
	s17 =	sshrl.u32 s14, $0x1;
	s2 =	smul.u32 $0x2710, s2  }
0x10: {  	s16 =	sadd.s32 s16, s9;
	s20 =	sadd.s32 s9, s20;
	s21 =	sadd.s32 s9, s21  }
0x11: {  	s22 =	sadd.s32 s9, s22;
	s23 =	sadd.s32 s9, s23;
	s10 =	sshrl.u32 s10, $0x2  }
0x12: {  	s11 =	sshrl.u32 s11, $0x2;
	s16 =	sshrl.u32 s16, $0x3;
	s29 =	sadd.s32 s10, s5  }
0x13: {  	s30 =	sadd.s32 s11, s5;
	s3 =	sshrl.u32 s3, $0x3;
	s24 =	sadd.s32 $0xF0, s2  }
0x14: {  	s16 =	sadd.s32 s13, s16;
	[dreg:$0x18] =	wrdreg s29;
	s28 =	sadd.s32 s0, s3  }
0x15: {  	[dreg:$0x7] =	wrdreg s24;
	s24 =	smul.u32 $0x138800, s26;
	s3 =	sadd.s32 $0xF00, s28  }
0x16: {  	[dreg:$0x6] =	wrdreg s3;
	s3 =	ssub.s32 s14, s17;
	s14 =	smul.u32 $0x2800, s8  }
0x17: {  	[dreg:$0x19] =	wrdreg s30;
	s17 =	sadd.s32 s9, s19;
	s19 =	smul.u32 $0x1388000, s12  }
0x18: {  	s25 =	sadd.s32 s9, s25;
	[dreg:$0xc] =	wrdreg s16;
	s12 =	smul.u32 $0x27100, s12  }
0x19: {  	s2 =	sshrl.u32 s2, $0x3;
	[dreg:$0xb] =	wrdreg s28;
	s8 =	smul.u32 $0xA000, s8  }
0x1a: {  	s17 =	sshrl.u32 s17, $0x3;
	s14 =	sadd.s32 s9, s14;
	s9 =	sadd.s32 s24, s19  }
0x1b: {  	s24 =	sshrl.u32 s20, $0x3;
	s20 =	sadd.s32 s13, s17;
	s17 =	sshrl.u32 s21, $0x3  }
0x1c: {  	s19 =	sshrl.u32 s22, $0x3;
	[dreg:$0xd] =	wrdreg s20;
	s24 =	sadd.s32 s13, s24  }
0x1d: {  	s20 =	sshrl.u32 s23, $0x3;
	s16 =	sadd.s32 s13, s17;
	s21 =	sadd.s32 s13, s19  }
0x1e: {  	s23 =	sshrl.u32 s25, $0x3;
	s25 =	smul.u32 $0x2710, s26;
	[dreg:$0xe] =	wrdreg s24  }
0x1f: {  	s14 =	sshrl.u32 s14, $0x3;
	s19 =	smul.u32 $0xA000, s15;
	[dreg:$0xf] =	wrdreg s16  }
0x20: {  	s11 =	sadd.s32 $0xA000, s9;
	[dreg:$0x10] =	wrdreg s21;
	s22 =	sadd.s32 s13, s20  }
0x21: {  	s24 =	sadd.s32 $0x7800, s9;
	s16 =	sadd.s32 s13, s23;
	[dreg:$0x1f] =	wrdreg s11  }
0x22: {  	s13 =	sadd.s32 s13, s14;
	s21 =	smul.u32 $0xA000, s18;
	[dreg:$0x11] =	wrdreg s22  }
0x23: {  	s20 =	sadd.s32 $0xF000, s9;
	s23 =	smul.u32 $0xA000, s26;
	[dreg:$0x12] =	wrdreg s16  }
0x24: {  	s11 =	simm.s32 $0x7;
	s17 =	sshrl.u32 s24, $0x3;
	[dreg:$0x13] =	wrdreg s13  }
0x25: {  	s12 =	sadd.s32 s25, s12;
	s15 =	sshrl.u32 s20, $0x3;
	s25 =	sshrl.u32 s19, $0x2  }
0x26: {  	s19 =	smax.u32 s3, $0x1;
	s16 =	sadd.s32 s17, s0;
	s17 =	sadd.s32 $0xC800, s9  }
0x27: {  	s22 =	sadd.s32 s15, s0;
	s24 =	sshrl.u32 s23, $0x2;
	[dreg:$0x1d] =	wrdreg s19  }
0x28: {  	s23 =	sadd.s32 s25, s5;
	s14 =	sshrl.u32 s21, $0x2;
	[dreg:$0x8] =	wrdreg s16  }
0x29: {  	s15 =	sshrl.u32 s4, $0x2;
	s10 =	sadd.s32 $0xF0, s12;
	[dreg:$0xa] =	wrdreg s22  }
0x2a: {  	s20 =	sadd.s32 $0x190, s12;
	s22 =	sadd.s32 s24, s5;
	[dreg:$0x1e] =	wrdreg s10  }
0x2b: {  	s24 =	sadd.s32 s14, s5;
	s14 =	sadd.s32 $0x500, s28;
	[dreg:$0x16] =	wrdreg s23  }
0x2c: {  	s25 =	sadd.s32 $0x1E0, s12;
	s9 =	simm.s32 $0x6;
	[smem:$0x7F6] =	sst s14  }
0x2d: {  	s13 =	sshrl.u32 s17, $0x3;
	s16 =	sshrl.u32 s7, $0x2;
	[dreg:$0x15] =	wrdreg s22  }
0x2e: {  	s3 =	sshrl.u32 s25, $0x3;
	s13 =	sadd.s32 s13, s0;
	[dreg:$0x17] =	wrdreg s24  }
0x2f: {  	s18 =	sadd.s32 s15, s5;
	s12 =	sadd.s32 s3, s1;
	[dreg:$0x9] =	wrdreg s13  }
0x30: {  	s4 =	sadd.s32 s16, s5;
	s16 =	sadd.s32 $0xA00, s28;
	[smem:$0x7F5] =	sst s12  }
0x31: {  	s26 =	smov.u32 s18;
	s18 =	sadd.s32 $0x26700, s28;
	[smem:$0x7F8] =	sst s16  }
0x32: {  	s17 =	sshrl.u32 s8, $0x2;
	s7 =	simm.s32 $0xA100;
	[smem:$0x7FA] =	sst s18  }
0x33: {  	s21 =	sadd.s32 s17, s5;
	s13 =	sadd.s32 s1, s2;
	[dreg:$0x1a] =	wrdreg s26  }
0x34: {  	s2 =	sshrl.u32 s20, $0x3;
	s20 =	sadd.s32 $0x26C00, s28;
	[dreg:$0x1c] =	wrdreg s21  }
0x35: {  	s8 =	simm.s32 $0x1;
	s10 =	simm.s32 $0x2;
	[smem:$0x7FC] =	sst s20  }
0x36: {  	s14 =	simm.s32 $0xA080;
	s28 =	smov.u32 s4;
	[dreg:$0x14] =	wrdreg s13  }
0x37: {  	s3 =	simm.s32 $0x50;
	s2 =	sadd.s32 s2, s1;
	[dreg:$0x1b] =	wrdreg s28  }
0x38: {  	s12 =	simm.s32 $0xA000;
	s15 =	sadd.s32 $0xA, s13;
	[smem:$0x7F4] =	sst s2  }
0x39: {  	s4 =	simm.s32 $0xA180;
	s17 =	sadd.s32 $0x14, s13;
	[smem:$0x7F7] =	sst s15  }
0x3a: {  	s16 =	simm.s32 $0x3;
	s19 =	sadd.s32 $0x4CE, s13;
	[smem:$0x7F9] =	sst s17  }
0x3b: {  	s25 =	sadd.s32 $0x4D8, s13;
	s13 =	simm.s32 $0x2800;
	[smem:$0x7FB] =	sst s19  }
0x3c: {  	[smem:$0x7FD] =	sst s25;
	s15 =	simm.s32 $0x5000;
	s25 =	simm.s32 $0x7800  }
0x3d: {  	s2 =	simm.s32 $0x5;
	s17 =	simm.s32 $0x8;
	s19 =	simm.s32 $0x0  }
.LBB2_1:
0x3e: {  	[smem:$0x7F3] =	sst s19  }
0x3f: {  	s18 =	rddreg [dreg:$0xb]  }
0x40: {  	s19 =	rddreg [dreg:$0x14]  }
0x41: {  	[tilespmem:s6], [sflag:$0x5] =	stream.linear.gather [hbm4b:s18+s6], $0x2800, $0x38;
	[tilespmem:$0x1DA80] =	vst v63  }
0x42: {  	s20 =	sld [smem:$0x7F6]  }
0x43: {  	[tilespmem:s12], [sflag:$0x5] =	stream.linear.gather [hbm4b:s19+s6], $0x50, $0x38;
	[tilespmem:$0x1DA80] =	vst v63  }
0x44: {  	s19 =	sld [smem:$0x7F7]  }
0x45: {  	[tilespmem:s13], [sflag:$0x6] =	stream.linear.gather [hbm4b:s20+s6], $0x2800, $0x38;
	[tilespmem:$0x1DA80] =	vst v63  }
0x46: {  	s20 =	sld [smem:$0x7F8]  }
0x47: {  	[tilespmem:s14], [sflag:$0x6] =	stream.linear.gather [hbm4b:s19+s6], $0x50, $0x38;
	[tilespmem:$0x1DA80] =	vst v63  }
0x48: {  	s19 =	sld [smem:$0x7F9]  }
0x49: {  	[tilespmem:s15], [sflag:$0x7] =	stream.linear.gather [hbm4b:s20+s6], $0x2800, $0x38;
	[tilespmem:$0x1DA80] =	vst v63  }
0x4a: {  	_ = 	snop  }
0x4b: {  	[tilespmem:s7], [sflag:$0x7] =	stream.linear.gather [hbm4b:s19+s6], $0x50, $0x38;
	[tilespmem:$0x1DA80] =	vst v63  }
0x4c: {  	s20 =	rddreg [dreg:$0x2]  }
0x4d: {  	[tilespmem:s25], [sflag:$0x9] =	stream.linear.gather [hbm4b:s20+s6], $0x2800, $0x38;
	[tilespmem:$0x1DA80] =	vst v63  }
0x4e: {  	_ =	swait.ge [sflag:s31], $0x2800  }
0x4f: {  	[sflag:s31] =	ssyncset.done $0x0  }
0x50: {  	[sflag:s31] =	ssyncadd.s32 $0xFFFFD800  }
0x51: {  	[spmem:s22] =	stream.linear.scatter [tilespmem:s25], [sflag:$0x9], $0x2800, $0x38;
	[tilespmem:$0x1DA80] =	vst v63  }
0x52: {  	_ =	swait.ge [sflag:s31], $0x2800  }
0x53: {  	[sflag:s31] =	ssyncset.done $0x0  }
0x54: {  	[sflag:s31] =	ssyncadd.s32 $0xFFFFD800  }
0x55: {  	[spmem:s23] =	stream.linear.scatter [tilespmem:s25], [sflag:$0x9], $0x2800, $0x38;
	[tilespmem:$0x1DA80] =	vst v63  }
0x56: {  	_ =	swait.ge [sflag:s31], $0x2800  }
0x57: {  	[sflag:s31] =	ssyncset.done $0x0  }
0x58: {  	[sflag:s31] =	ssyncadd.s32 $0xFFFFD800  }
0x59: {  	[spmem:s24] =	stream.linear.scatter [tilespmem:s25], [sflag:$0x9], $0x2800, $0x38;
	[tilespmem:$0x1DA80] =	vst v63  }
0x5a: {  	_ =	swait.ge [sflag:s31], $0x2800  }
0x5b: {  	[sflag:s31] =	ssyncset.done $0x0  }
0x5c: {  	[sflag:s31] =	ssyncadd.s32 $0xFFFFD800  }
0x5d: {  	[spmem:s29] =	stream.linear.scatter [tilespmem:s25], [sflag:$0x9], $0x2800, $0x38;
	[tilespmem:$0x1DA80] =	vst v63  }
0x5e: {  	_ =	swait.ge [sflag:s31], $0x2800  }
0x5f: {  	[sflag:s31] =	ssyncset.done $0x0  }
0x60: {  	[sflag:s31] =	ssyncadd.s32 $0xFFFFD800  }
0x61: {  	[spmem:s30] =	stream.linear.scatter [tilespmem:s25], [sflag:$0x9], $0x2800, $0x38;
	[tilespmem:$0x1DA80] =	vst v63  }
0x62: {  	_ =	swait.ge [sflag:s31], $0x2800  }
0x63: {  	[sflag:s31] =	ssyncset.done $0x0  }
0x64: {  	[sflag:s31] =	ssyncadd.s32 $0xFFFFD800  }
0x65: {  	[spmem:s26] =	stream.linear.scatter [tilespmem:s25], [sflag:$0x9], $0x2800, $0x38;
	[tilespmem:$0x1DA80] =	vst v63  }
0x66: {  	_ =	swait.ge [sflag:s31], $0x2800  }
0x67: {  	[sflag:s31] =	ssyncset.done $0x0  }
0x68: {  	[sflag:s31] =	ssyncadd.s32 $0xFFFFD800  }
0x69: {  	[spmem:s28] =	stream.linear.scatter [tilespmem:s25], [sflag:$0x9], $0x2800, $0x38;
	[tilespmem:$0x1DA80] =	vst v63  }
0x6a: {  	_ =	swait.ge [sflag:s31], $0x2800  }
0x6b: {  	[sflag:s31] =	ssyncset.done $0x0  }
0x6c: {  	s20 =	simm.s32 @!p0 $0x7800;
	[sflag:s31] =	ssyncadd.s32 $0xFFFFD800  }
0x6d: {  	[spmem:s21] =	stream.linear.scatter @!p0 [tilespmem:s20], [sflag:$0x9], $0x2800, $0x38;
	[tilespmem:$0x1DA80] =	vst v63  }
0x6e: {  	s20 =	simm.s32 @!p0 $0x9  }
0x6f: {  	_ =	swait.ge @!p0 [sflag:s20], $0x2800  }
0x70: {  	[sflag:s20] =	ssyncset.done @!p0 $0x0  }
0x71: {  	p1 =	por $0x1, $0x1;
	[sflag:s20] =	ssyncadd.s32 @!p0 $0xFFFFD800  }
0x72: {  	s22 =	simm.s32 @p1 $0x7800;
	[bflag:$0x0] =	sbarrier.arrive $0xFFFF  }
0x73: {  	s23 =	simm.s32 @!p1 $0x4;
	s21 =	simm.s32 @p1 $0x0;
	s20 =	rddreg [dreg:$0x6]  }
0x74: {  	[tilespmem:s22], [sflag:$0x8] =	stream.linear.gather @p1 [hbm4b:s20+s21], $0x2800, $0x38;
	[tilespmem:$0x1DA80] =	vst v63  }
0x75: {  	_ =	swait.ge @!p1 [sflag:s23], $0x2800  }
0x76: {  	s20 =	rddreg [dreg:$0x8]  }
0x77: {  	s22 =	simm.s32 @!p1 $0x0;
	[sflag:s23] =	ssyncset.done @!p1 $0x0;
	s18 =	rddreg [dreg:$0x1e]  }
0x78: {  	[sflag:s23] =	ssyncadd.s32 @!p1 $0xFFFFD800;
	s20 =	sadd.s32 @!p1 $0x0, s20;
	s23 =	simm.s32 @!p1 $0x7800  }
0x79: {  	[tilespmem:s23], [sflag:$0x8] =	stream.linear.gather @!p1 [hbm4b:s20+s22], $0x2800, $0x38;
	[tilespmem:$0x1DA80] =	vst v63  }
0x7a: {  	s21 =	rddreg [dreg:$0x7];
	s20 =	smov.u32 s18  }
0x7b: {  	s20 =	smov.u32 @p1 s21  }
0x7c: {  	s20 =	sshrl.u32 s20, $0x3  }
0x7d: {  	s20 =	sadd.s32 s1, s20  }
0x7e: {  	[tilespmem:s4], [sflag:$0x8] =	stream.linear.gather [hbm4b:s20+s6], $0x50, $0x38;
	[tilespmem:$0x1DA80] =	vst v63  }
0x7f: {  	_ =	swait.ge [sflag:s2], $0x2800  }
0x80: {  	[sflag:s2] =	ssyncset.done $0x0  }
0x81: {  	[sflag:s2] =	ssyncadd.s32 $0xFFFFD800  }
0x82: {  	_ =	swait.ge [sflag:s2], $0x50  }
0x83: {  	[sflag:s2] =	ssyncset.done $0x0  }
0x84: {  	[sflag:s2] =	ssyncadd.s32 $0xFFFFFFB0  }
0x85: {  	[spmem:s5] =	stream.indirect.scatter.add.f32 [tilespmem:s6], [sflag:$0x1], $0x80, s12, s3, $0xb8;
	[tilespmem:$0x1DA80] =	vst v63  }
0x86: {  	_ =	swait.ge [sflag:s8], $0x2800  }
0x87: {  	s19 =	rddreg [dreg:$0x1f]  }
0x88: {  	s23 =	sadd.s32 $0x50, s18;
	[sflag:s8] =	ssyncset.done $0x0;
	s22 =	sshrl.u32 s19, $0x3  }
0x89: {  	s21 =	sshrl.u32 s23, $0x3;
	[sflag:s8] =	ssyncadd.s32 $0xFFFFD800;
	s20 =	sadd.s32 s0, s22  }
0x8a: {  	[tilespmem:s6], [sflag:$0x5] =	stream.linear.gather [hbm4b:s20+s6], $0x2800, $0x38;
	[tilespmem:$0x1DA80] =	vst v63  }
0x8b: {  	s24 =	sadd.s32 s1, s21  }
0x8c: {  	[tilespmem:s12], [sflag:$0x5] =	stream.linear.gather [hbm4b:s24+s6], $0x50, $0x38;
	[tilespmem:$0x1DA80] =	vst v63  }
0x8d: {  	_ =	swait.ge [sflag:s9], $0x2800  }
0x8e: {  	[sflag:s9] =	ssyncset.done $0x0  }
0x8f: {  	[sflag:s9] =	ssyncadd.s32 $0xFFFFD800  }
0x90: {  	_ =	swait.ge [sflag:s9], $0x50  }
0x91: {  	[sflag:s9] =	ssyncset.done $0x0  }
0x92: {  	[sflag:s9] =	ssyncadd.s32 $0xFFFFFFB0  }
0x93: {  	[spmem:s5] =	stream.indirect.scatter.add.f32 [tilespmem:s13], [sflag:$0x2], $0x80, s14, s3, $0xb8;
	[tilespmem:$0x1DA80] =	vst v63  }
0x94: {  	_ =	swait.ge [sflag:s10], $0x2800  }
0x95: {  	s26 =	rddreg [dreg:$0x9];
	[sflag:s10] =	ssyncset.done $0x0  }
0x96: {  	s28 =	sld [smem:$0x7F4];
	[sflag:s10] =	ssyncadd.s32 $0xFFFFD800;
	s20 =	sadd.s32 $0x0, s26  }
0x97: {  	[tilespmem:s13], [sflag:$0x6] =	stream.linear.gather [hbm4b:s20+s6], $0x2800, $0x38;
	[tilespmem:$0x1DA80] =	vst v63  }
0x98: {  	_ = 	snop  }
0x99: {  	[tilespmem:s14], [sflag:$0x6] =	stream.linear.gather [hbm4b:s28+s6], $0x50, $0x38;
	[tilespmem:$0x1DA80] =	vst v63  }
0x9a: {  	_ =	swait.ge [sflag:s11], $0x2800  }
0x9b: {  	[sflag:s11] =	ssyncset.done $0x0  }
0x9c: {  	[sflag:s11] =	ssyncadd.s32 $0xFFFFD800  }
0x9d: {  	_ =	swait.ge [sflag:s11], $0x50  }
0x9e: {  	[sflag:s11] =	ssyncset.done $0x0  }
0x9f: {  	[sflag:s11] =	ssyncadd.s32 $0xFFFFFFB0  }
0xa0: {  	[spmem:s5] =	stream.indirect.scatter.add.f32 [tilespmem:s15], [sflag:$0x3], $0x80, s7, s3, $0xb8;
	[tilespmem:$0x1DA80] =	vst v63  }
0xa1: {  	_ =	swait.ge [sflag:s16], $0x2800  }
0xa2: {  	s29 =	rddreg [dreg:$0xa];
	[sflag:s16] =	ssyncset.done $0x0  }
0xa3: {  	s30 =	sld [smem:$0x7F5];
	[sflag:s16] =	ssyncadd.s32 $0xFFFFD800;
	s20 =	sadd.s32 $0x0, s29  }
0xa4: {  	[tilespmem:s15], [sflag:$0x7] =	stream.linear.gather [hbm4b:s20+s6], $0x2800, $0x38;
	[tilespmem:$0x1DA80] =	vst v63  }
0xa5: {  	_ = 	snop  }
0xa6: {  	[tilespmem:s7], [sflag:$0x7] =	stream.linear.gather [hbm4b:s30+s6], $0x50, $0x38;
	[tilespmem:$0x1DA80] =	vst v63  }
0xa7: {  	_ =	swait.ge [sflag:s17], $0x2800  }
0xa8: {  	s23 =	sadd.s32 $0x140, s18;
	[sflag:s17] =	ssyncset.done $0x0  }
0xa9: {  	s24 =	sadd.s32 $0xA000, s19;
	s21 =	sadd.s32 $0x28, s28;
	[sflag:s17] =	ssyncadd.s32 $0xFFFFD800  }
0xaa: {  	s20 =	simm.s32 $0x1400;
	s22 =	sadd.s32 $0x28, s30;
	_ =	swait.ge [sflag:s17], $0x50  }
.LBB2_2:
0xab: {  	[sflag:s17] =	ssyncset.done $0x0;
	s28 =	smov.u32 s20  }
0xac: {  	s29 =	rddreg [dreg:$0x6];
	p2 =	seq.s32 s28, $0x0;
	[sflag:s17] =	ssyncadd.s32 $0xFFFFFFB0  }
0xad: {  	[spmem:s5] =	stream.indirect.scatter.add.f32 [tilespmem:s25], [sflag:$0x4], $0x80, s4, s3, $0xb8;
	[tilespmem:$0x1DA80] =	vst v63  }
0xae: {  	s30 =	simm.s32 @p2 $0x0;
	s26 =	simm.s32 @p2 $0x7800;
	s18 =	simm.s32 @!p2 $0x4  }
0xaf: {  	[tilespmem:s26], [sflag:$0x8] =	stream.linear.gather @p2 [hbm4b:s29+s30], $0x2800, $0x38;
	[tilespmem:$0x1DA80] =	vst v63  }
0xb0: {  	_ =	swait.ge @!p2 [sflag:s18], $0x2800  }
0xb1: {  	s29 =	simm.s32 @!p2 $0x0;
	[sflag:s18] =	ssyncset.done @!p2 $0x0;
	s26 =	rddreg [dreg:$0x8]  }
0xb2: {  	s30 =	simm.s32 @!p2 $0x7800;
	[sflag:s18] =	ssyncadd.s32 @!p2 $0xFFFFD800;
	s26 =	sadd.s32 @!p2 s28, s26  }
0xb3: {  	[tilespmem:s30], [sflag:$0x8] =	stream.linear.gather @!p2 [hbm4b:s26+s29], $0x2800, $0x38;
	[tilespmem:$0x1DA80] =	vst v63  }
0xb4: {  	s18 =	rddreg [dreg:$0x7];
	s26 =	smov.u32 s23  }
0xb5: {  	s26 =	smov.u32 @p2 s18  }
0xb6: {  	s18 =	sshrl.u32 s26, $0x3  }
0xb7: {  	s18 =	sadd.s32 s1, s18  }
0xb8: {  	[tilespmem:s4], [sflag:$0x8] =	stream.linear.gather [hbm4b:s18+s6], $0x50, $0x38;
	[tilespmem:$0x1DA80] =	vst v63  }
0xb9: {  	_ =	swait.ge [sflag:s2], $0x2800  }
0xba: {  	[sflag:s2] =	ssyncset.done $0x0  }
0xbb: {  	[sflag:s2] =	ssyncadd.s32 $0xFFFFD800  }
0xbc: {  	_ =	swait.ge [sflag:s2], $0x50  }
0xbd: {  	[sflag:s2] =	ssyncset.done $0x0  }
0xbe: {  	[sflag:s2] =	ssyncadd.s32 $0xFFFFFFB0  }
0xbf: {  	[spmem:s5] =	stream.indirect.scatter.add.f32 [tilespmem:s6], [sflag:$0x1], $0x80, s12, s3, $0xb8;
	[tilespmem:$0x1DA80] =	vst v63  }
0xc0: {  	_ =	swait.ge [sflag:s8], $0x2800  }
0xc1: {  	s19 =	sadd.s32 $0x50, s23;
	s30 =	sshrl.u32 s24, $0x3;
	[sflag:s8] =	ssyncset.done $0x0  }
0xc2: {  	s26 =	sshrl.u32 s19, $0x3;
	s18 =	sadd.s32 s0, s30;
	[sflag:s8] =	ssyncadd.s32 $0xFFFFD800  }
0xc3: {  	[tilespmem:s6], [sflag:$0x5] =	stream.linear.gather [hbm4b:s18+s6], $0x2800, $0x38;
	[tilespmem:$0x1DA80] =	vst v63  }
0xc4: {  	s26 =	sadd.s32 s1, s26  }
0xc5: {  	[tilespmem:s12], [sflag:$0x5] =	stream.linear.gather [hbm4b:s26+s6], $0x50, $0x38;
	[tilespmem:$0x1DA80] =	vst v63  }
0xc6: {  	_ =	swait.ge [sflag:s9], $0x2800  }
0xc7: {  	[sflag:s9] =	ssyncset.done $0x0  }
0xc8: {  	[sflag:s9] =	ssyncadd.s32 $0xFFFFD800  }
0xc9: {  	_ =	swait.ge [sflag:s9], $0x50  }
0xca: {  	[sflag:s9] =	ssyncset.done $0x0  }
0xcb: {  	[sflag:s9] =	ssyncadd.s32 $0xFFFFFFB0  }
0xcc: {  	[spmem:s5] =	stream.indirect.scatter.add.f32 [tilespmem:s13], [sflag:$0x2], $0x80, s14, s3, $0xb8;
	[tilespmem:$0x1DA80] =	vst v63  }
0xcd: {  	_ =	swait.ge [sflag:s10], $0x2800  }
0xce: {  	s29 =	rddreg [dreg:$0x9];
	[sflag:s10] =	ssyncset.done $0x0  }
0xcf: {  	[sflag:s10] =	ssyncadd.s32 $0xFFFFD800;
	s18 =	sadd.s32 s28, s29  }
0xd0: {  	[tilespmem:s13], [sflag:$0x6] =	stream.linear.gather [hbm4b:s18+s6], $0x2800, $0x38;
	[tilespmem:$0x1DA80] =	vst v63  }
0xd1: {  	_ = 	snop  }
0xd2: {  	[tilespmem:s14], [sflag:$0x6] =	stream.linear.gather [hbm4b:s21+s6], $0x50, $0x38;
	[tilespmem:$0x1DA80] =	vst v63  }
0xd3: {  	_ =	swait.ge [sflag:s11], $0x2800  }
0xd4: {  	[sflag:s11] =	ssyncset.done $0x0  }
0xd5: {  	[sflag:s11] =	ssyncadd.s32 $0xFFFFD800  }
0xd6: {  	_ =	swait.ge [sflag:s11], $0x50  }
0xd7: {  	[sflag:s11] =	ssyncset.done $0x0  }
0xd8: {  	[sflag:s11] =	ssyncadd.s32 $0xFFFFFFB0  }
0xd9: {  	[spmem:s5] =	stream.indirect.scatter.add.f32 [tilespmem:s15], [sflag:$0x3], $0x80, s7, s3, $0xb8;
	[tilespmem:$0x1DA80] =	vst v63  }
0xda: {  	_ =	swait.ge [sflag:s16], $0x2800  }
0xdb: {  	s30 =	rddreg [dreg:$0xa];
	[sflag:s16] =	ssyncset.done $0x0  }
0xdc: {  	s20 =	sadd.s32 $0x1400, s20;
	[sflag:s16] =	ssyncadd.s32 $0xFFFFD800;
	s18 =	sadd.s32 s28, s30  }
0xdd: {  	[tilespmem:s15], [sflag:$0x7] =	stream.linear.gather [hbm4b:s18+s6], $0x2800, $0x38;
	[tilespmem:$0x1DA80] =	vst v63  }
0xde: {  	p1 =	sne.s32 s20, $0x25800  }
0xdf: {  	[tilespmem:s7], [sflag:$0x7] =	stream.linear.gather [hbm4b:s22+s6], $0x50, $0x38;
	[tilespmem:$0x1DA80] =	vst v63  }
.Ltmp0:
0xe0: {  	_ = 	snop;
	(pc) =	sbr.rel @p1 .LBB2_2-.Ltmp0, $4  }
0xe1: {  	_ =	swait.ge [sflag:s17], $0x2800  }
0xe2: {  	[sflag:s17] =	ssyncset.done $0x0  }
0xe3: {  	s23 =	sadd.s32 $0x140, s23;
	s24 =	sadd.s32 $0xA000, s24;
	[sflag:s17] =	ssyncadd.s32 $0xFFFFD800  }
0xe4: {  	s21 =	sadd.s32 $0x28, s21;
	s22 =	sadd.s32 $0x28, s22;
	_ =	swait.ge [sflag:s17], $0x50  }
0xe5: {  	[sflag:s17] =	ssyncset.done $0x0  }
0xe6: {  	s19 =	simm.s32 $0x4;
	[sflag:s17] =	ssyncadd.s32 $0xFFFFFFB0  }
0xe7: {  	[spmem:s5] =	stream.indirect.scatter.add.f32 [tilespmem:s25], [sflag:$0x4], $0x80, s4, s3, $0xb8;
	[tilespmem:$0x1DA80] =	vst v63  }
0xe8: {  	_ =	swait.ge [sflag:s19], $0x2800  }
0xe9: {  	s18 =	sld [smem:$0x7FA]  }
0xea: {  	[sflag:s19] =	ssyncset.done $0x0  }
0xeb: {  	s23 =	sld [smem:$0x7FB];
	[sflag:s19] =	ssyncadd.s32 $0xFFFFD800  }
0xec: {  	[tilespmem:s25], [sflag:$0x8] =	stream.linear.gather [hbm4b:s18+s6], $0x2800, $0x38;
	[tilespmem:$0x1DA80] =	vst v63  }
0xed: {  	_ = 	snop  }
0xee: {  	[tilespmem:s4], [sflag:$0x8] =	stream.linear.gather [hbm4b:s23+s6], $0x50, $0x38;
	[tilespmem:$0x1DA80] =	vst v63  }
0xef: {  	_ =	swait.ge [sflag:s2], $0x2800  }
0xf0: {  	[sflag:s2] =	ssyncset.done $0x0  }
0xf1: {  	[sflag:s2] =	ssyncadd.s32 $0xFFFFD800  }
0xf2: {  	_ =	swait.ge [sflag:s2], $0x50  }
0xf3: {  	[sflag:s2] =	ssyncset.done $0x0  }
0xf4: {  	[sflag:s2] =	ssyncadd.s32 $0xFFFFFFB0  }
0xf5: {  	[spmem:s5] =	stream.indirect.scatter.add.f32 [tilespmem:s6], [sflag:$0x1], $0x80, s12, s3, $0xb8;
	[tilespmem:$0x1DA80] =	vst v63  }
0xf6: {  	_ =	swait.ge [sflag:s8], $0x2800  }
0xf7: {  	s24 =	sld [smem:$0x7FC]  }
0xf8: {  	[sflag:s8] =	ssyncset.done $0x0  }
0xf9: {  	s26 =	sld [smem:$0x7FD];
	[sflag:s8] =	ssyncadd.s32 $0xFFFFD800  }
0xfa: {  	[tilespmem:s6], [sflag:$0x5] =	stream.linear.gather [hbm4b:s24+s6], $0x2800, $0x38;
	[tilespmem:$0x1DA80] =	vst v63  }
0xfb: {  	_ = 	snop  }
0xfc: {  	[tilespmem:s12], [sflag:$0x5] =	stream.linear.gather [hbm4b:s26+s6], $0x50, $0x38;
	[tilespmem:$0x1DA80] =	vst v63  }
0xfd: {  	_ =	swait.ge [sflag:s9], $0x2800  }
0xfe: {  	[sflag:s9] =	ssyncset.done $0x0  }
0xff: {  	[sflag:s9] =	ssyncadd.s32 $0xFFFFD800  }
0x100: {  	_ =	swait.ge [sflag:s9], $0x50  }
0x101: {  	[sflag:s9] =	ssyncset.done $0x0  }
0x102: {  	[sflag:s9] =	ssyncadd.s32 $0xFFFFFFB0  }
0x103: {  	[spmem:s5] =	stream.indirect.scatter.add.f32 [tilespmem:s13], [sflag:$0x2], $0x80, s14, s3, $0xb8;
	[tilespmem:$0x1DA80] =	vst v63  }
0x104: {  	_ =	swait.ge [sflag:s10], $0x2800  }
0x105: {  	[sflag:s10] =	ssyncset.done $0x0  }
0x106: {  	[sflag:s10] =	ssyncadd.s32 $0xFFFFD800  }
0x107: {  	_ =	swait.ge [sflag:s11], $0x2800  }
0x108: {  	[sflag:s11] =	ssyncset.done $0x0  }
0x109: {  	[sflag:s11] =	ssyncadd.s32 $0xFFFFD800  }
0x10a: {  	_ =	swait.ge [sflag:s11], $0x50  }
0x10b: {  	[sflag:s11] =	ssyncset.done $0x0  }
0x10c: {  	[sflag:s11] =	ssyncadd.s32 $0xFFFFFFB0  }
0x10d: {  	[spmem:s5] =	stream.indirect.scatter.add.f32 [tilespmem:s15], [sflag:$0x3], $0x80, s7, s3, $0xb8;
	[tilespmem:$0x1DA80] =	vst v63  }
0x10e: {  	_ =	swait.ge [sflag:s16], $0x2800  }
0x10f: {  	[sflag:s16] =	ssyncset.done $0x0  }
0x110: {  	[sflag:s16] =	ssyncadd.s32 $0xFFFFD800  }
0x111: {  	_ =	swait.ge [sflag:s17], $0x2800  }
0x112: {  	[sflag:s17] =	ssyncset.done $0x0  }
0x113: {  	[sflag:s17] =	ssyncadd.s32 $0xFFFFD800  }
0x114: {  	_ =	swait.ge [sflag:s17], $0x50  }
0x115: {  	[sflag:s17] =	ssyncset.done $0x0  }
0x116: {  	[sflag:s17] =	ssyncadd.s32 $0xFFFFFFB0  }
0x117: {  	[spmem:s5] =	stream.indirect.scatter.add.f32 [tilespmem:s25], [sflag:$0x4], $0x80, s4, s3, $0xb8;
	[tilespmem:$0x1DA80] =	vst v63  }
0x118: {  	_ =	swait.ge [sflag:s19], $0x2800  }
0x119: {  	[sflag:s19] =	ssyncset.done $0x0  }
0x11a: {  	[sflag:s19] =	ssyncadd.s32 $0xFFFFD800  }
0x11b: {  	_ =	swait.ge [sflag:s2], $0x2800  }
0x11c: {  	[sflag:s2] =	ssyncset.done $0x0  }
0x11d: {  	[sflag:s2] =	ssyncadd.s32 $0xFFFFD800  }
0x11e: {  	_ =	swait.ge [sflag:s2], $0x50  }
0x11f: {  	[sflag:s2] =	ssyncset.done $0x0  }
0x120: {  	[sflag:s2] =	ssyncadd.s32 $0xFFFFFFB0  }
0x121: {  	[spmem:s5] =	stream.indirect.scatter.add.f32 [tilespmem:s6], [sflag:$0x1], $0x80, s12, s3, $0xb8;
	[tilespmem:$0x1DA80] =	vst v63  }
0x122: {  	_ =	swait.ge [sflag:s8], $0x2800  }
0x123: {  	[sflag:s8] =	ssyncset.done $0x0  }
0x124: {  	[sflag:s8] =	ssyncadd.s32 $0xFFFFD800  }
0x125: {  	[bflag:$0x0] =	sbarrier.arrive $0xFFFF  }
0x126: {  	s22 =	rddreg [dreg:$0x15]  }
0x127: {  	[tilespmem:s6], [sflag:$0x9] =	stream.linear.gather [spmem:s22], $0x2800, $0x38;
	[tilespmem:$0x1DA80] =	vst v63  }
0x128: {  	_ =	swait.ge [sflag:s31], $0x2800  }
0x129: {  	[sflag:s31] =	ssyncset.done $0x0  }
0x12a: {  	s19 =	rddreg [dreg:$0xc];
	[sflag:s31] =	ssyncadd.s32 $0xFFFFD800  }
0x12b: {  	[hbm4b:s19+s6] =	stream.linear.scatter [tilespmem:s6], [sflag:$0x5], $0x2800, $0x38;
	[tilespmem:$0x1DA80] =	vst v63  }
0x12c: {  	s23 =	rddreg [dreg:$0x16]  }
0x12d: {  	[tilespmem:s13], [sflag:$0x9] =	stream.linear.gather [spmem:s23], $0x2800, $0x38;
	[tilespmem:$0x1DA80] =	vst v63  }
0x12e: {  	_ =	swait.ge [sflag:s31], $0x2800  }
0x12f: {  	[sflag:s31] =	ssyncset.done $0x0  }
0x130: {  	s20 =	rddreg [dreg:$0xd];
	[sflag:s31] =	ssyncadd.s32 $0xFFFFD800  }
0x131: {  	[hbm4b:s20+s6] =	stream.linear.scatter [tilespmem:s13], [sflag:$0x6], $0x2800, $0x38;
	[tilespmem:$0x1DA80] =	vst v63  }
0x132: {  	_ =	swait.ge [sflag:s2], $0x2800  }
0x133: {  	[sflag:s2] =	ssyncset.done $0x0  }
0x134: {  	s24 =	rddreg [dreg:$0x17];
	[sflag:s2] =	ssyncadd.s32 $0xFFFFD800  }
0x135: {  	[tilespmem:s6], [sflag:$0x9] =	stream.linear.gather [spmem:s24], $0x2800, $0x38;
	[tilespmem:$0x1DA80] =	vst v63  }
0x136: {  	_ =	swait.ge [sflag:s31], $0x2800  }
0x137: {  	[sflag:s31] =	ssyncset.done $0x0  }
0x138: {  	s21 =	rddreg [dreg:$0xe];
	[sflag:s31] =	ssyncadd.s32 $0xFFFFD800  }
0x139: {  	[hbm4b:s21+s6] =	stream.linear.scatter [tilespmem:s6], [sflag:$0x5], $0x2800, $0x38;
	[tilespmem:$0x1DA80] =	vst v63  }
0x13a: {  	_ =	swait.ge [sflag:s9], $0x2800  }
0x13b: {  	[sflag:s9] =	ssyncset.done $0x0  }
0x13c: {  	s29 =	rddreg [dreg:$0x18];
	[sflag:s9] =	ssyncadd.s32 $0xFFFFD800  }
0x13d: {  	[tilespmem:s13], [sflag:$0x9] =	stream.linear.gather [spmem:s29], $0x2800, $0x38;
	[tilespmem:$0x1DA80] =	vst v63  }
0x13e: {  	_ =	swait.ge [sflag:s31], $0x2800  }
0x13f: {  	[sflag:s31] =	ssyncset.done $0x0  }
0x140: {  	s26 =	rddreg [dreg:$0xf];
	[sflag:s31] =	ssyncadd.s32 $0xFFFFD800  }
0x141: {  	[hbm4b:s26+s6] =	stream.linear.scatter [tilespmem:s13], [sflag:$0x6], $0x2800, $0x38;
	[tilespmem:$0x1DA80] =	vst v63  }
0x142: {  	_ =	swait.ge [sflag:s2], $0x2800  }
0x143: {  	[sflag:s2] =	ssyncset.done $0x0  }
0x144: {  	s30 =	rddreg [dreg:$0x19];
	[sflag:s2] =	ssyncadd.s32 $0xFFFFD800  }
0x145: {  	[tilespmem:s6], [sflag:$0x9] =	stream.linear.gather [spmem:s30], $0x2800, $0x38;
	[tilespmem:$0x1DA80] =	vst v63  }
0x146: {  	_ =	swait.ge [sflag:s31], $0x2800  }
0x147: {  	[sflag:s31] =	ssyncset.done $0x0  }
0x148: {  	s19 =	rddreg [dreg:$0x10];
	[sflag:s31] =	ssyncadd.s32 $0xFFFFD800  }
0x149: {  	[hbm4b:s19+s6] =	stream.linear.scatter [tilespmem:s6], [sflag:$0x5], $0x2800, $0x38;
	[tilespmem:$0x1DA80] =	vst v63  }
0x14a: {  	_ =	swait.ge [sflag:s9], $0x2800  }
0x14b: {  	[sflag:s9] =	ssyncset.done $0x0  }
0x14c: {  	s26 =	rddreg [dreg:$0x1a];
	[sflag:s9] =	ssyncadd.s32 $0xFFFFD800  }
0x14d: {  	[tilespmem:s13], [sflag:$0x9] =	stream.linear.gather [spmem:s26], $0x2800, $0x38;
	[tilespmem:$0x1DA80] =	vst v63  }
0x14e: {  	_ =	swait.ge [sflag:s31], $0x2800  }
0x14f: {  	[sflag:s31] =	ssyncset.done $0x0  }
0x150: {  	s20 =	rddreg [dreg:$0x11];
	[sflag:s31] =	ssyncadd.s32 $0xFFFFD800  }
0x151: {  	[hbm4b:s20+s6] =	stream.linear.scatter [tilespmem:s13], [sflag:$0x6], $0x2800, $0x38;
	[tilespmem:$0x1DA80] =	vst v63  }
0x152: {  	_ =	swait.ge [sflag:s2], $0x2800  }
0x153: {  	[sflag:s2] =	ssyncset.done $0x0  }
0x154: {  	s28 =	rddreg [dreg:$0x1b];
	[sflag:s2] =	ssyncadd.s32 $0xFFFFD800  }
0x155: {  	[tilespmem:s6], [sflag:$0x9] =	stream.linear.gather [spmem:s28], $0x2800, $0x38;
	[tilespmem:$0x1DA80] =	vst v63  }
0x156: {  	_ =	swait.ge [sflag:s31], $0x2800  }
0x157: {  	[sflag:s31] =	ssyncset.done $0x0  }
0x158: {  	s21 =	rddreg [dreg:$0x12];
	[sflag:s31] =	ssyncadd.s32 $0xFFFFD800  }
0x159: {  	[hbm4b:s21+s6] =	stream.linear.scatter [tilespmem:s6], [sflag:$0x5], $0x2800, $0x38;
	[tilespmem:$0x1DA80] =	vst v63  }
0x15a: {  	_ =	swait.ge [sflag:s9], $0x2800  }
0x15b: {  	s18 =	simm.s32 @!p0 $0x2800;
	[sflag:s9] =	ssyncset.done $0x0  }
0x15c: {  	s20 =	simm.s32 @!p0 $0x9;
	s19 =	rddreg [dreg:$0x1c];
	[sflag:s9] =	ssyncadd.s32 $0xFFFFD800  }
0x15d: {  	[tilespmem:s18], [sflag:$0x9] =	stream.linear.gather @!p0 [spmem:s19], $0x2800, $0x38;
	[tilespmem:$0x1DA80] =	vst v63  }
0x15e: {  	_ =	swait.ge @!p0 [sflag:s20], $0x2800  }
0x15f: {  	[sflag:s20] =	ssyncset.done @!p0 $0x0  }
0x160: {  	s21 =	rddreg [dreg:$0x13];
	[sflag:s20] =	ssyncadd.s32 @!p0 $0xFFFFD800;
	s20 =	simm.s32 @!p0 $0x0  }
0x161: {  	[hbm4b:s21+s20] =	stream.linear.scatter @!p0 [tilespmem:s18], [sflag:$0x6], $0x2800, $0x38;
	[tilespmem:$0x1DA80] =	vst v63  }
0x162: {  	s18 =	simm.s32 @!p0 $0x5  }
0x163: {  	_ =	swait.ge @!p0 [sflag:s18], $0x2800  }
0x164: {  	s20 =	simm.s32 @!p0 $0x6;
	[sflag:s18] =	ssyncset.done @!p0 $0x0  }
0x165: {  	s20 =	simm.s32 @p0 $0x5;
	[sflag:s18] =	ssyncadd.s32 @!p0 $0xFFFFD800  }
0x166: {  	_ =	swait.ge [sflag:s20], $0x2800  }
0x167: {  	s18 =	sld [smem:$0x7F3];
	_ =	sdelay $0x2  }
0x168: {  	s21 =	smov.u32 s19;
	s19 =	sadd.s32 $0x1, s18;
	s18 =	rddreg [dreg:$0x1d]  }
0x169: {  	p1 =	sne.s32 s19, s18  }
.Ltmp1:
0x16a: {  	_ = 	snop;
	(pc) =	sbr.rel @p1 .LBB2_1-.Ltmp1, $3  }
0x16b: {  	_ =	sdelay $0x1  }
0x16c: {  	[sflag:s20] =	ssyncset.done $0x0  }
0x16d: {  	[sflag:s20] =	ssyncadd.s32 $0xFFFFD800  }
0x16e: {  	_ =	sfence.sel $0x180000  }
0x16f: {  	[bflag:$0x0] =	sbarrier.arrive $0xFFFF  }
0x170: {  	_ =	strace $0x90000047  }
0x171: {  	s0 =	stileid.u32;
	[bflag:$0x2] =	sbarrier.arrive $0xFFFF  }
0x172: {  	p0 =	sne.s32 s0, $0x0;
	s0 =	rddreg [dreg:$0x5]  }
0x173: {  	s0 =	sadd.s32 @!p0 $0x100000, s0  }
0x174: {  	[sflag:s0] =	ssyncadd.tile.s32 @!p0 $0x1;
	_ =	shalt  }
.Lfunc_end2:
_tile_overlayer_lowered:
.L_overlay_start_2:
0x175: {  	(tag) =	ssettag $0x2  }
0x176: {  	s0 =	rddreg [dreg:$0x0];
	s2 =	stileid.u32  }
0x177: {  	s1 =	rddreg [dreg:$0x1];
	p0 =	sne.s32 s2, $0x0  }
0x178: {  	s3 =	rddreg [dreg:$0x2];
	[bflag:$0x3] =	sbarrier.arrive $0xFFFF;
	s2 =	simm.s32 @!p0 $0x1C09  }
0x179: {  	[timem:s3], [sflag:s2] =	dma.local @!p0 [hbm:s0], s1  }
0x17a: {  	s0 =	simm.s32 @!p0 $0x9  }
0x17b: {  	_ =	swait.ge @!p0 [sflag:s0], s1  }
0x17c: {  	s1 =	ssub.s32 @!p0 $0x0, s1;
	[sflag:s0] =	ssyncset.done @!p0 $0x0  }
0x17d: {  	[sflag:s0] =	ssyncadd.s32 @!p0 s1  }
0x17e: {  	[bflag:$0x3] =	sbarrier.arrive $0xFFFF  }
0x17f: {  	_ =	shalt  }

</sc_bundles>
